<compile_context>
chip_gen: v7x
topology: tpu7x:2x2x1
jax: 0.10.2.dev20260603
libtpu: 0.0.44.dev20260713+nightly
codegen_flags: <defaults>
</compile_context>

<pallas_src>
import functools

import jax
import jax.numpy as jnp
from jax import lax
from jax.experimental import pallas as pl
from jax.experimental.pallas import tpu as pltpu
from jax.experimental.pallas import tpu_sc as plsc

E = 16
TOP_K = 8
D = 2048
F = 1408
B = 32
NF = 2
C = F // NF
DC = D // NF


def _route_sc_kernel(rl_hbm, out_hbm, logit_v, w_v):
    wid = lax.axis_index("s") * 2 + lax.axis_index("c")
    pltpu.sync_copy(rl_hbm.at[wid], logit_v)
    lg = logit_v[...]
    ids = lax.iota(jnp.int32, 16)

    def _shuf(v, k):
        return v.at[ids ^ k].get(mode="promise_in_bounds")

    def _ared(v, op):
        for k in (1, 2, 4, 8):
            v = op(v, _shuf(v, k))
        return v

    vals = lg
    sel = ids < 0
    for _ in range(TOP_K):
        m = _ared(vals, jnp.maximum)
        first = _ared(jnp.where(vals == m, ids, E), jnp.minimum)
        hit = ids == first
        sel = sel | hit
        vals = jnp.where(hit, -jnp.inf, vals)
    ew = jnp.where(sel, jnp.exp(lg - _ared(lg, jnp.maximum)), 0.0)
    w_v[...] = ew / _ared(ew, jnp.add)
    pltpu.sync_copy(w_v, out_hbm.at[wid])


@functools.partial(jax.jit, static_argnames=())
def _route_sc(router_logits):
    mesh = plsc.VectorSubcoreMesh(core_axis_name="c", subcore_axis_name="s")
    return pl.kernel(
        _route_sc_kernel,
        mesh=mesh,
        out_type=jax.ShapeDtypeStruct((B, E), jnp.float32),
        scratch_types=[
            pltpu.VMEM((E,), jnp.float32),
            pltpu.VMEM((E,), jnp.float32),
        ],
    )(router_logits)


def _ffn_kernel(cb_ref, xt_ref, w1_ref, w1u_ref, w2_ref, out_ref,
                xt_v, combt, acct, mixa, mixb):
    e = pl.program_id(0)
    f = pl.program_id(1)

    @pl.when((e == 0) & (f == 0))
    def _init():
        xt_v[:, :] = xt_ref[:, :]
        acct[:, :] = jnp.zeros((D, B), jnp.float32)
        combt[:, :] = cb_ref[:, :].T

    @pl.when(e < E)
    def _gate_up():
        xtb = xt_v[:, :]
        gt = jax.lax.dot_general(w1_ref[0], xtb, (((1,), (0,)), ((), ())),
                                 preferred_element_type=jnp.float32)
        ut = jax.lax.dot_general(w1u_ref[0], xtb, (((1,), (0,)), ((), ())),
                                 preferred_element_type=jnp.float32)
        cw = combt[pl.ds(e, 1), :]
        mt = gt * jax.lax.logistic(gt) * ut * cw

        @pl.when(e % 2 == 0)
        def _():
            mixa[pl.ds(f * C, C), :] = mt

        @pl.when(e % 2 == 1)
        def _():
            mixb[pl.ds(f * C, C), :] = mt

    @pl.when(e > 0)
    def _down():
        @pl.when(e % 2 == 1)
        def _():
            acct[pl.ds(f * DC, DC), :] += jax.lax.dot_general(
                w2_ref[0], mixa[:, :], (((1,), (0,)), ((), ())),
                preferred_element_type=jnp.float32)

        @pl.when(e % 2 == 0)
        def _():
            acct[pl.ds(f * DC, DC), :] += jax.lax.dot_general(
                w2_ref[0], mixb[:, :], (((1,), (0,)), ((), ())),
                preferred_element_type=jnp.float32)

    @pl.when((e == E) & (f == NF - 1))
    def _fin():
        out_ref[:, :] = acct[:, :]


def kernel(x, router_logits, w1, w1_up, w2):
    if x.ndim == 2:
        x = x[:, None, :]
    curr = x[:, -1, :]
    comb = _route_sc(router_logits)
    outt = pl.pallas_call(
        _ffn_kernel,
        grid=(E + 1, NF),
        in_specs=[
            pl.BlockSpec((B, E), lambda e, f: (0, 0)),
            pl.BlockSpec((D, B), lambda e, f: (0, 0)),
            pl.BlockSpec((1, C, D),
                         lambda e, f: (jnp.minimum(e, E - 1),
                                       jnp.where(e < E, f, NF - 1), 0)),
            pl.BlockSpec((1, C, D),
                         lambda e, f: (jnp.minimum(e, E - 1),
                                       jnp.where(e < E, f, NF - 1), 0)),
            pl.BlockSpec((1, DC, F),
                         lambda e, f: (jnp.maximum(e - 1, 0),
                                       jnp.where(e == 0, 0, f), 0)),
        ],
        out_specs=pl.BlockSpec((D, B), lambda e, f: (0, 0)),
        out_shape=jax.ShapeDtypeStruct((D, B), jnp.float32),
        scratch_shapes=[
            pltpu.VMEM((D, B), jnp.float32),
            pltpu.VMEM((E, B), jnp.float32),
            pltpu.VMEM((D, B), jnp.float32),
            pltpu.VMEM((F, B), jnp.float32),
            pltpu.VMEM((F, B), jnp.float32),
        ],
        compiler_params=pltpu.CompilerParams(
            dimension_semantics=("arbitrary", "arbitrary")),
    )(comb, curr.T, w1, w1_up, w2)
    return outt.T.reshape(x.shape[0], 1, D)

# --- scband reference (transcript-rebuilt; emitter-appended) ---
"""Pipeline reference for scband-cached-glm-experts-39874476376636 (READ-ONLY COPY).

The authoritative reference and input builder live on the scoring server;
editing this copy changes nothing except your own understanding.
"""

import jax, jax.numpy as jnp
import numpy as np

E = 16
TOP_K = 8
D_MODEL = 2048
D_FF = 1408
B = 32


def setup_inputs(seed: int = 0) -> dict:
    key = jax.random.key(seed)
    ks = jax.random.split(key, 5)
    x = jax.random.normal(ks[0], (B, D_MODEL), dtype=jnp.float32)
    router_logits = jax.random.normal(ks[1], (B, E), dtype=jnp.float32)
    w1 = jax.random.normal(ks[2], (E, D_FF, D_MODEL), dtype=jnp.float32) * 0.02
    w1_up = jax.random.normal(ks[3], (E, D_FF, D_MODEL), dtype=jnp.float32) * 0.02
    w2 = jax.random.normal(ks[4], (E, D_MODEL, D_FF), dtype=jnp.float32) * 0.02
    return {"x": x, "router_logits": router_logits, "w1": w1, "w1_up": w1_up, "w2": w2}


def reference(x, router_logits, w1, w1_up, w2):
    # Faithful to CachedGlmExperts.forward (dequantized weights materialized as dense fp32):
    # only the last token per sequence is processed; per-token top-k experts,
    # softmax over the top-k logits, SiLU-gated FFN per expert, weighted sum.
    if x.ndim == 2:
        x = x[:, None, :]
    curr = x[:, -1, :]  # [B, D]
    topk_vals, topk_ids = jax.lax.top_k(router_logits, TOP_K)
    topk_w = jax.nn.softmax(topk_vals, axis=-1)
    b = curr.shape[0]
    e = w1.shape[0]
    # scatter top-k routing weights into dense [B, E] combine matrix
    # (mathematically identical to the per-token/per-route accumulation loop)
    combine = jnp.zeros((b, e), dtype=curr.dtype).at[
        jnp.arange(b)[:, None], topk_ids
    ].add(topk_w)
    gate = jnp.einsum("bd,efd->bef", curr, w1)      # mv(gate_w, h) per expert
    up = jnp.einsum("bd,efd->bef", curr, w1_up)     # mv(up_w, h) per expert
    mixed = jax.nn.silu(gate) * up
    out_e = jnp.einsum("bef,edf->bed", mixed, w2)   # mv(down_w, mixed)
    out = jnp.einsum("bed,be->bd", out_e, combine)
    return out.reshape(x.shape[0], 1, -1)

if __name__ == "__main__":
    import jax
    _d = setup_inputs()
    print(jax.jit(kernel)(*tuple(_d.values())))

</pallas_src>

<mosaic_0001>
#map = affine_map<(d0, d1) -> (0, 0)>
module attributes {stable_mosaic.version = 14 : i64} {
  func.func @_route_sc_kernel(%arg0: i32, %arg1: i32, %arg2: memref<32x16xf32, #tpu.memory_space<hbm>>, %arg3: memref<32x16xf32, #tpu.memory_space<hbm>>, %arg4: memref<16xf32, #tpu.memory_space<vmem>>, %arg5: memref<16xf32, #tpu.memory_space<vmem>>) attributes {dimension_semantics = [#tpu.dimension_semantics<core_parallel>, #tpu.dimension_semantics<subcore_parallel>], iteration_bounds = array<i64: 2, 16>, scalar_prefetch = 0 : i64, scratch_operands = 2 : i64, tpu.core_type = #tpu.core_type<sc_vector_subcore>, window_params = [{transform_indices = #map}, {transform_indices = #map}]} {
    %mul3A = arith.constant 2 : i32
    %mul3A_0 = arith.muli %arg1, %mul3A : i32
    %add3A = arith.addi %mul3A_0, %arg0 : i32
    "tpu.region"() ({
      %run_scoped3A = tpu.sem_alloc : memref<!tpu.dma_semaphore, #tpu.memory_space<semaphore_mem>>
      %dma_start3A = arith.constant 0 : i32
      %dma_start3A_1082 = tpu.memref_slice %arg2[%add3A, %dma_start3A] : memref<32x16xf32, #tpu.memory_space<hbm>> -> memref<1x16xf32, #tpu.memory_space<hbm>>
      %dma_start3A_1083 = tpu.memref_squeeze %dma_start3A_1082 : memref<1x16xf32, #tpu.memory_space<hbm>> -> memref<16xf32, #tpu.memory_space<hbm>>
      %dma_start3A_1084 = arith.constant 0 : i32
      %dma_start3A_1085 = tpu.memref_slice %arg2[%add3A, %dma_start3A_1084] : memref<32x16xf32, #tpu.memory_space<hbm>> -> memref<1x16xf32, #tpu.memory_space<hbm>>
      %dma_start3A_1086 = tpu.memref_squeeze %dma_start3A_1085 : memref<1x16xf32, #tpu.memory_space<hbm>> -> memref<16xf32, #tpu.memory_space<hbm>>
      tpu.enqueue_dma source(%dma_start3A_1086 : memref<16xf32, #tpu.memory_space<hbm>>) target(%arg4 : memref<16xf32, #tpu.memory_space<vmem>>) target_semaphore(%run_scoped3A : memref<!tpu.dma_semaphore, #tpu.memory_space<semaphore_mem>>)
      %dma_wait3A = arith.constant 0 : i32
      %dma_wait3A_1087 = tpu.memref_slice %arg2[%add3A, %dma_wait3A] : memref<32x16xf32, #tpu.memory_space<hbm>> -> memref<1x16xf32, #tpu.memory_space<hbm>>
      %dma_wait3A_1088 = tpu.memref_squeeze %dma_wait3A_1087 : memref<1x16xf32, #tpu.memory_space<hbm>> -> memref<16xf32, #tpu.memory_space<hbm>>
      %dma_wait3A_1089 = arith.constant 0 : i32
      %dma_wait3A_1090 = tpu.memref_slice %arg2[%add3A, %dma_wait3A_1089] : memref<32x16xf32, #tpu.memory_space<hbm>> -> memref<1x16xf32, #tpu.memory_space<hbm>>
      %dma_wait3A_1091 = tpu.memref_squeeze %dma_wait3A_1090 : memref<1x16xf32, #tpu.memory_space<hbm>> -> memref<16xf32, #tpu.memory_space<hbm>>
      tpu.wait_dma2 semaphore(%run_scoped3A : memref<!tpu.dma_semaphore, #tpu.memory_space<semaphore_mem>>) src(%dma_wait3A_1091 : memref<16xf32, #tpu.memory_space<hbm>>) dst(%arg4 : memref<16xf32, #tpu.memory_space<vmem>>)
      tpu.yield
    }) : () -> ()
    %get3A = arith.constant 0 : index
    %get3A_1 = tpu.vector_load %arg4[%get3A] {strides = array<i32>} : memref<16xf32, #tpu.memory_space<vmem>>, vector<16xf32>,
    %get3A_2 = vector.shape_cast %get3A_1 : vector<16xf32> to vector<16xf32>
    %iota3A = tpu.iota {dimensions = array<i32: 0>} : vector<16xi32>
    %lt3A = arith.constant 0 : i32
    %lt3A_3 = vector.broadcast %lt3A : i32 to vector<16xi32>
    %lt3A_4 = arith.cmpi slt, %iota3A, %lt3A_3 : vector<16xi32>
    %xor3A = arith.constant 1 : i32
    %xor3A_5 = vector.broadcast %xor3A : i32 to vector<16xi32>
    %xor3A_6 = arith.xori %iota3A, %xor3A_5 : vector<16xi32>
    %lt3A_7 = arith.constant 0 : i32
    %lt3A_8 = vector.broadcast %lt3A_7 : i32 to vector<16xi32>
    %lt3A_9 = arith.cmpi slt, %xor3A_6, %lt3A_8 : vector<16xi32>
    %add3A_10 = arith.constant 16 : i32
    %add3A_11 = vector.broadcast %add3A_10 : i32 to vector<16xi32>
    %add3A_12 = arith.addi %xor3A_6, %add3A_11 : vector<16xi32>
    %select_n3A = arith.select %lt3A_9, %add3A_12, %xor3A_6 : vector<16xi1>, vector<16xi32>
    %broadcast_in_dim3A = vector.shape_cast %select_n3A : vector<16xi32> to vector<16x1xi32>
    %gather3A = vector.shape_cast %broadcast_in_dim3A : vector<16x1xi32> to vector<16xi32>
    %gather3A_13 = tpu.dynamic_gather %get3A_2[%gather3A] in [0] : vector<16xf32>, vector<16xi32> -> vector<16xf32>
    %max3A = arith.maximumf %get3A_2, %gather3A_13 : vector<16xf32>
    %xor3A_14 = arith.constant 2 : i32
    %xor3A_15 = vector.broadcast %xor3A_14 : i32 to vector<16xi32>
    %xor3A_16 = arith.xori %iota3A, %xor3A_15 : vector<16xi32>
    %lt3A_17 = arith.constant 0 : i32
    %lt3A_18 = vector.broadcast %lt3A_17 : i32 to vector<16xi32>
    %lt3A_19 = arith.cmpi slt, %xor3A_16, %lt3A_18 : vector<16xi32>
    %add3A_20 = arith.constant 16 : i32
    %add3A_21 = vector.broadcast %add3A_20 : i32 to vector<16xi32>
    %add3A_22 = arith.addi %xor3A_16, %add3A_21 : vector<16xi32>
    %select_n3A_23 = arith.select %lt3A_19, %add3A_22, %xor3A_16 : vector<16xi1>, vector<16xi32>
    %broadcast_in_dim3A_24 = vector.shape_cast %select_n3A_23 : vector<16xi32> to vector<16x1xi32>
    %gather3A_25 = vector.shape_cast %broadcast_in_dim3A_24 : vector<16x1xi32> to vector<16xi32>
    %gather3A_26 = tpu.dynamic_gather %max3A[%gather3A_25] in [0] : vector<16xf32>, vector<16xi32> -> vector<16xf32>
    %max3A_27 = arith.maximumf %max3A, %gather3A_26 : vector<16xf32>
    %xor3A_28 = arith.constant 4 : i32
    %xor3A_29 = vector.broadcast %xor3A_28 : i32 to vector<16xi32>
    %xor3A_30 = arith.xori %iota3A, %xor3A_29 : vector<16xi32>
    %lt3A_31 = arith.constant 0 : i32
    %lt3A_32 = vector.broadcast %lt3A_31 : i32 to vector<16xi32>
    %lt3A_33 = arith.cmpi slt, %xor3A_30, %lt3A_32 : vector<16xi32>
    %add3A_34 = arith.constant 16 : i32
    %add3A_35 = vector.broadcast %add3A_34 : i32 to vector<16xi32>
    %add3A_36 = arith.addi %xor3A_30, %add3A_35 : vector<16xi32>
    %select_n3A_37 = arith.select %lt3A_33, %add3A_36, %xor3A_30 : vector<16xi1>, vector<16xi32>
    %broadcast_in_dim3A_38 = vector.shape_cast %select_n3A_37 : vector<16xi32> to vector<16x1xi32>
    %gather3A_39 = vector.shape_cast %broadcast_in_dim3A_38 : vector<16x1xi32> to vector<16xi32>
    %gather3A_40 = tpu.dynamic_gather %max3A_27[%gather3A_39] in [0] : vector<16xf32>, vector<16xi32> -> vector<16xf32>
    %max3A_41 = arith.maximumf %max3A_27, %gather3A_40 : vector<16xf32>
    %xor3A_42 = arith.constant 8 : i32
    %xor3A_43 = vector.broadcast %xor3A_42 : i32 to vector<16xi32>
    %xor3A_44 = arith.xori %iota3A, %xor3A_43 : vector<16xi32>
    %lt3A_45 = arith.constant 0 : i32
    %lt3A_46 = vector.broadcast %lt3A_45 : i32 to vector<16xi32>
    %lt3A_47 = arith.cmpi slt, %xor3A_44, %lt3A_46 : vector<16xi32>
    %add3A_48 = arith.constant 16 : i32
    %add3A_49 = vector.broadcast %add3A_48 : i32 to vector<16xi32>
    %add3A_50 = arith.addi %xor3A_44, %add3A_49 : vector<16xi32>
    %select_n3A_51 = arith.select %lt3A_47, %add3A_50, %xor3A_44 : vector<16xi1>, vector<16xi32>
    %broadcast_in_dim3A_52 = vector.shape_cast %select_n3A_51 : vector<16xi32> to vector<16x1xi32>
    %gather3A_53 = vector.shape_cast %broadcast_in_dim3A_52 : vector<16x1xi32> to vector<16xi32>
    %gather3A_54 = tpu.dynamic_gather %max3A_41[%gather3A_53] in [0] : vector<16xf32>, vector<16xi32> -> vector<16xf32>
    %max3A_55 = arith.maximumf %max3A_41, %gather3A_54 : vector<16xf32>
    %eq3A = arith.cmpf oeq, %get3A_2, %max3A_55 : vector<16xf32>
    %jit3A = arith.constant 16 : i32
    %broadcast_in_dim3A_56 = vector.broadcast %jit3A : i32 to vector<16xi32>
    %select_n3A_57 = arith.select %eq3A, %iota3A, %broadcast_in_dim3A_56 : vector<16xi1>, vector<16xi32>
    %xor3A_58 = arith.constant 1 : i32
    %xor3A_59 = vector.broadcast %xor3A_58 : i32 to vector<16xi32>
    %xor3A_60 = arith.xori %iota3A, %xor3A_59 : vector<16xi32>
    %lt3A_61 = arith.constant 0 : i32
    %lt3A_62 = vector.broadcast %lt3A_61 : i32 to vector<16xi32>
    %lt3A_63 = arith.cmpi slt, %xor3A_60, %lt3A_62 : vector<16xi32>
    %add3A_64 = arith.constant 16 : i32
    %add3A_65 = vector.broadcast %add3A_64 : i32 to vector<16xi32>
    %add3A_66 = arith.addi %xor3A_60, %add3A_65 : vector<16xi32>
    %select_n3A_67 = arith.select %lt3A_63, %add3A_66, %xor3A_60 : vector<16xi1>, vector<16xi32>
    %broadcast_in_dim3A_68 = vector.shape_cast %select_n3A_67 : vector<16xi32> to vector<16x1xi32>
    %gather3A_69 = vector.shape_cast %broadcast_in_dim3A_68 : vector<16x1xi32> to vector<16xi32>
    %gather3A_70 = tpu.dynamic_gather %select_n3A_57[%gather3A_69] in [0] : vector<16xi32>, vector<16xi32> -> vector<16xi32>
    %min3A = arith.minsi %select_n3A_57, %gather3A_70 : vector<16xi32>
    %xor3A_71 = arith.constant 2 : i32
    %xor3A_72 = vector.broadcast %xor3A_71 : i32 to vector<16xi32>
    %xor3A_73 = arith.xori %iota3A, %xor3A_72 : vector<16xi32>
    %lt3A_74 = arith.constant 0 : i32
    %lt3A_75 = vector.broadcast %lt3A_74 : i32 to vector<16xi32>
    %lt3A_76 = arith.cmpi slt, %xor3A_73, %lt3A_75 : vector<16xi32>
    %add3A_77 = arith.constant 16 : i32
    %add3A_78 = vector.broadcast %add3A_77 : i32 to vector<16xi32>
    %add3A_79 = arith.addi %xor3A_73, %add3A_78 : vector<16xi32>
    %select_n3A_80 = arith.select %lt3A_76, %add3A_79, %xor3A_73 : vector<16xi1>, vector<16xi32>
    %broadcast_in_dim3A_81 = vector.shape_cast %select_n3A_80 : vector<16xi32> to vector<16x1xi32>
    %gather3A_82 = vector.shape_cast %broadcast_in_dim3A_81 : vector<16x1xi32> to vector<16xi32>
    %gather3A_83 = tpu.dynamic_gather %min3A[%gather3A_82] in [0] : vector<16xi32>, vector<16xi32> -> vector<16xi32>
    %min3A_84 = arith.minsi %min3A, %gather3A_83 : vector<16xi32>
    %xor3A_85 = arith.constant 4 : i32
    %xor3A_86 = vector.broadcast %xor3A_85 : i32 to vector<16xi32>
    %xor3A_87 = arith.xori %iota3A, %xor3A_86 : vector<16xi32>
    %lt3A_88 = arith.constant 0 : i32
    %lt3A_89 = vector.broadcast %lt3A_88 : i32 to vector<16xi32>
    %lt3A_90 = arith.cmpi slt, %xor3A_87, %lt3A_89 : vector<16xi32>
    %add3A_91 = arith.constant 16 : i32
    %add3A_92 = vector.broadcast %add3A_91 : i32 to vector<16xi32>
    %add3A_93 = arith.addi %xor3A_87, %add3A_92 : vector<16xi32>
    %select_n3A_94 = arith.select %lt3A_90, %add3A_93, %xor3A_87 : vector<16xi1>, vector<16xi32>
    %broadcast_in_dim3A_95 = vector.shape_cast %select_n3A_94 : vector<16xi32> to vector<16x1xi32>
    %gather3A_96 = vector.shape_cast %broadcast_in_dim3A_95 : vector<16x1xi32> to vector<16xi32>
    %gather3A_97 = tpu.dynamic_gather %min3A_84[%gather3A_96] in [0] : vector<16xi32>, vector<16xi32> -> vector<16xi32>
    %min3A_98 = arith.minsi %min3A_84, %gather3A_97 : vector<16xi32>
    %xor3A_99 = arith.constant 8 : i32
    %xor3A_100 = vector.broadcast %xor3A_99 : i32 to vector<16xi32>
    %xor3A_101 = arith.xori %iota3A, %xor3A_100 : vector<16xi32>
    %lt3A_102 = arith.constant 0 : i32
    %lt3A_103 = vector.broadcast %lt3A_102 : i32 to vector<16xi32>
    %lt3A_104 = arith.cmpi slt, %xor3A_101, %lt3A_103 : vector<16xi32>
    %add3A_105 = arith.constant 16 : i32
    %add3A_106 = vector.broadcast %add3A_105 : i32 to vector<16xi32>
    %add3A_107 = arith.addi %xor3A_101, %add3A_106 : vector<16xi32>
    %select_n3A_108 = arith.select %lt3A_104, %add3A_107, %xor3A_101 : vector<16xi1>, vector<16xi32>
    %broadcast_in_dim3A_109 = vector.shape_cast %select_n3A_108 : vector<16xi32> to vector<16x1xi32>
    %gather3A_110 = vector.shape_cast %broadcast_in_dim3A_109 : vector<16x1xi32> to vector<16xi32>
    %gather3A_111 = tpu.dynamic_gather %min3A_98[%gather3A_110] in [0] : vector<16xi32>, vector<16xi32> -> vector<16xi32>
    %min3A_112 = arith.minsi %min3A_98, %gather3A_111 : vector<16xi32>
    %eq3A_113 = arith.cmpi eq, %iota3A, %min3A_112 : vector<16xi32>
    %or3A = arith.ori %lt3A_4, %eq3A_113 : vector<16xi1>
    %jit3A_114 = arith.constant 0xFF800000 : f32
    %broadcast_in_dim3A_115 = vector.broadcast %jit3A_114 : f32 to vector<16xf32>
    %select_n3A_116 = arith.select %eq3A_113, %broadcast_in_dim3A_115, %get3A_2 : vector<16xi1>, vector<16xf32>
    %xor3A_117 = arith.constant 1 : i32
    %xor3A_118 = vector.broadcast %xor3A_117 : i32 to vector<16xi32>
    %xor3A_119 = arith.xori %iota3A, %xor3A_118 : vector<16xi32>
    %lt3A_120 = arith.constant 0 : i32
    %lt3A_121 = vector.broadcast %lt3A_120 : i32 to vector<16xi32>
    %lt3A_122 = arith.cmpi slt, %xor3A_119, %lt3A_121 : vector<16xi32>
    %add3A_123 = arith.constant 16 : i32
    %add3A_124 = vector.broadcast %add3A_123 : i32 to vector<16xi32>
    %add3A_125 = arith.addi %xor3A_119, %add3A_124 : vector<16xi32>
    %select_n3A_126 = arith.select %lt3A_122, %add3A_125, %xor3A_119 : vector<16xi1>, vector<16xi32>
    %broadcast_in_dim3A_127 = vector.shape_cast %select_n3A_126 : vector<16xi32> to vector<16x1xi32>
    %gather3A_128 = vector.shape_cast %broadcast_in_dim3A_127 : vector<16x1xi32> to vector<16xi32>
    %gather3A_129 = tpu.dynamic_gather %select_n3A_116[%gather3A_128] in [0] : vector<16xf32>, vector<16xi32> -> vector<16xf32>
    %max3A_130 = arith.maximumf %select_n3A_116, %gather3A_129 : vector<16xf32>
    %xor3A_131 = arith.constant 2 : i32
    %xor3A_132 = vector.broadcast %xor3A_131 : i32 to vector<16xi32>
    %xor3A_133 = arith.xori %iota3A, %xor3A_132 : vector<16xi32>
    %lt3A_134 = arith.constant 0 : i32
    %lt3A_135 = vector.broadcast %lt3A_134 : i32 to vector<16xi32>
    %lt3A_136 = arith.cmpi slt, %xor3A_133, %lt3A_135 : vector<16xi32>
    %add3A_137 = arith.constant 16 : i32
    %add3A_138 = vector.broadcast %add3A_137 : i32 to vector<16xi32>
    %add3A_139 = arith.addi %xor3A_133, %add3A_138 : vector<16xi32>
    %select_n3A_140 = arith.select %lt3A_136, %add3A_139, %xor3A_133 : vector<16xi1>, vector<16xi32>
    %broadcast_in_dim3A_141 = vector.shape_cast %select_n3A_140 : vector<16xi32> to vector<16x1xi32>
    %gather3A_142 = vector.shape_cast %broadcast_in_dim3A_141 : vector<16x1xi32> to vector<16xi32>
    %gather3A_143 = tpu.dynamic_gather %max3A_130[%gather3A_142] in [0] : vector<16xf32>, vector<16xi32> -> vector<16xf32>
    %max3A_144 = arith.maximumf %max3A_130, %gather3A_143 : vector<16xf32>
    %xor3A_145 = arith.constant 4 : i32
    %xor3A_146 = vector.broadcast %xor3A_145 : i32 to vector<16xi32>
    %xor3A_147 = arith.xori %iota3A, %xor3A_146 : vector<16xi32>
    %lt3A_148 = arith.constant 0 : i32
    %lt3A_149 = vector.broadcast %lt3A_148 : i32 to vector<16xi32>
    %lt3A_150 = arith.cmpi slt, %xor3A_147, %lt3A_149 : vector<16xi32>
    %add3A_151 = arith.constant 16 : i32
    %add3A_152 = vector.broadcast %add3A_151 : i32 to vector<16xi32>
    %add3A_153 = arith.addi %xor3A_147, %add3A_152 : vector<16xi32>
    %select_n3A_154 = arith.select %lt3A_150, %add3A_153, %xor3A_147 : vector<16xi1>, vector<16xi32>
    %broadcast_in_dim3A_155 = vector.shape_cast %select_n3A_154 : vector<16xi32> to vector<16x1xi32>
    %gather3A_156 = vector.shape_cast %broadcast_in_dim3A_155 : vector<16x1xi32> to vector<16xi32>
    %gather3A_157 = tpu.dynamic_gather %max3A_144[%gather3A_156] in [0] : vector<16xf32>, vector<16xi32> -> vector<16xf32>
    %max3A_158 = arith.maximumf %max3A_144, %gather3A_157 : vector<16xf32>
    %xor3A_159 = arith.constant 8 : i32
    %xor3A_160 = vector.broadcast %xor3A_159 : i32 to vector<16xi32>
    %xor3A_161 = arith.xori %iota3A, %xor3A_160 : vector<16xi32>
    %lt3A_162 = arith.constant 0 : i32
    %lt3A_163 = vector.broadcast %lt3A_162 : i32 to vector<16xi32>
    %lt3A_164 = arith.cmpi slt, %xor3A_161, %lt3A_163 : vector<16xi32>
    %add3A_165 = arith.constant 16 : i32
    %add3A_166 = vector.broadcast %add3A_165 : i32 to vector<16xi32>
    %add3A_167 = arith.addi %xor3A_161, %add3A_166 : vector<16xi32>
    %select_n3A_168 = arith.select %lt3A_164, %add3A_167, %xor3A_161 : vector<16xi1>, vector<16xi32>
    %broadcast_in_dim3A_169 = vector.shape_cast %select_n3A_168 : vector<16xi32> to vector<16x1xi32>
    %gather3A_170 = vector.shape_cast %broadcast_in_dim3A_169 : vector<16x1xi32> to vector<16xi32>
    %gather3A_171 = tpu.dynamic_gather %max3A_158[%gather3A_170] in [0] : vector<16xf32>, vector<16xi32> -> vector<16xf32>
    %max3A_172 = arith.maximumf %max3A_158, %gather3A_171 : vector<16xf32>
    %eq3A_173 = arith.cmpf oeq, %select_n3A_116, %max3A_172 : vector<16xf32>
    %jit3A_174 = arith.constant 16 : i32
    %broadcast_in_dim3A_175 = vector.broadcast %jit3A_174 : i32 to vector<16xi32>
    %select_n3A_176 = arith.select %eq3A_173, %iota3A, %broadcast_in_dim3A_175 : vector<16xi1>, vector<16xi32>
    %xor3A_177 = arith.constant 1 : i32
    %xor3A_178 = vector.broadcast %xor3A_177 : i32 to vector<16xi32>
    %xor3A_179 = arith.xori %iota3A, %xor3A_178 : vector<16xi32>
    %lt3A_180 = arith.constant 0 : i32
    %lt3A_181 = vector.broadcast %lt3A_180 : i32 to vector<16xi32>
    %lt3A_182 = arith.cmpi slt, %xor3A_179, %lt3A_181 : vector<16xi32>
    %add3A_183 = arith.constant 16 : i32
    %add3A_184 = vector.broadcast %add3A_183 : i32 to vector<16xi32>
    %add3A_185 = arith.addi %xor3A_179, %add3A_184 : vector<16xi32>
    %select_n3A_186 = arith.select %lt3A_182, %add3A_185, %xor3A_179 : vector<16xi1>, vector<16xi32>
    %broadcast_in_dim3A_187 = vector.shape_cast %select_n3A_186 : vector<16xi32> to vector<16x1xi32>
    %gather3A_188 = vector.shape_cast %broadcast_in_dim3A_187 : vector<16x1xi32> to vector<16xi32>
    %gather3A_189 = tpu.dynamic_gather %select_n3A_176[%gather3A_188] in [0] : vector<16xi32>, vector<16xi32> -> vector<16xi32>
    %min3A_190 = arith.minsi %select_n3A_176, %gather3A_189 : vector<16xi32>
    %xor3A_191 = arith.constant 2 : i32
    %xor3A_192 = vector.broadcast %xor3A_191 : i32 to vector<16xi32>
    %xor3A_193 = arith.xori %iota3A, %xor3A_192 : vector<16xi32>
    %lt3A_194 = arith.constant 0 : i32
    %lt3A_195 = vector.broadcast %lt3A_194 : i32 to vector<16xi32>
    %lt3A_196 = arith.cmpi slt, %xor3A_193, %lt3A_195 : vector<16xi32>
    %add3A_197 = arith.constant 16 : i32
    %add3A_198 = vector.broadcast %add3A_197 : i32 to vector<16xi32>
    %add3A_199 = arith.addi %xor3A_193, %add3A_198 : vector<16xi32>
    %select_n3A_200 = arith.select %lt3A_196, %add3A_199, %xor3A_193 : vector<16xi1>, vector<16xi32>
    %broadcast_in_dim3A_201 = vector.shape_cast %select_n3A_200 : vector<16xi32> to vector<16x1xi32>
    %gather3A_202 = vector.shape_cast %broadcast_in_dim3A_201 : vector<16x1xi32> to vector<16xi32>
    %gather3A_203 = tpu.dynamic_gather %min3A_190[%gather3A_202] in [0] : vector<16xi32>, vector<16xi32> -> vector<16xi32>
    %min3A_204 = arith.minsi %min3A_190, %gather3A_203 : vector<16xi32>
    %xor3A_205 = arith.constant 4 : i32
    %xor3A_206 = vector.broadcast %xor3A_205 : i32 to vector<16xi32>
    %xor3A_207 = arith.xori %iota3A, %xor3A_206 : vector<16xi32>
    %lt3A_208 = arith.constant 0 : i32
    %lt3A_209 = vector.broadcast %lt3A_208 : i32 to vector<16xi32>
    %lt3A_210 = arith.cmpi slt, %xor3A_207, %lt3A_209 : vector<16xi32>
    %add3A_211 = arith.constant 16 : i32
    %add3A_212 = vector.broadcast %add3A_211 : i32 to vector<16xi32>
    %add3A_213 = arith.addi %xor3A_207, %add3A_212 : vector<16xi32>
    %select_n3A_214 = arith.select %lt3A_210, %add3A_213, %xor3A_207 : vector<16xi1>, vector<16xi32>
    %broadcast_in_dim3A_215 = vector.shape_cast %select_n3A_214 : vector<16xi32> to vector<16x1xi32>
    %gather3A_216 = vector.shape_cast %broadcast_in_dim3A_215 : vector<16x1xi32> to vector<16xi32>
    %gather3A_217 = tpu.dynamic_gather %min3A_204[%gather3A_216] in [0] : vector<16xi32>, vector<16xi32> -> vector<16xi32>
    %min3A_218 = arith.minsi %min3A_204, %gather3A_217 : vector<16xi32>
    %xor3A_219 = arith.constant 8 : i32
    %xor3A_220 = vector.broadcast %xor3A_219 : i32 to vector<16xi32>
    %xor3A_221 = arith.xori %iota3A, %xor3A_220 : vector<16xi32>
    %lt3A_222 = arith.constant 0 : i32
    %lt3A_223 = vector.broadcast %lt3A_222 : i32 to vector<16xi32>
    %lt3A_224 = arith.cmpi slt, %xor3A_221, %lt3A_223 : vector<16xi32>
    %add3A_225 = arith.constant 16 : i32
    %add3A_226 = vector.broadcast %add3A_225 : i32 to vector<16xi32>
    %add3A_227 = arith.addi %xor3A_221, %add3A_226 : vector<16xi32>
    %select_n3A_228 = arith.select %lt3A_224, %add3A_227, %xor3A_221 : vector<16xi1>, vector<16xi32>
    %broadcast_in_dim3A_229 = vector.shape_cast %select_n3A_228 : vector<16xi32> to vector<16x1xi32>
    %gather3A_230 = vector.shape_cast %broadcast_in_dim3A_229 : vector<16x1xi32> to vector<16xi32>
    %gather3A_231 = tpu.dynamic_gather %min3A_218[%gather3A_230] in [0] : vector<16xi32>, vector<16xi32> -> vector<16xi32>
    %min3A_232 = arith.minsi %min3A_218, %gather3A_231 : vector<16xi32>
    %eq3A_233 = arith.cmpi eq, %iota3A, %min3A_232 : vector<16xi32>
    %or3A_234 = arith.ori %or3A, %eq3A_233 : vector<16xi1>
    %jit3A_235 = arith.constant 0xFF800000 : f32
    %broadcast_in_dim3A_236 = vector.broadcast %jit3A_235 : f32 to vector<16xf32>
    %select_n3A_237 = arith.select %eq3A_233, %broadcast_in_dim3A_236, %select_n3A_116 : vector<16xi1>, vector<16xf32>
    %xor3A_238 = arith.constant 1 : i32
    %xor3A_239 = vector.broadcast %xor3A_238 : i32 to vector<16xi32>
    %xor3A_240 = arith.xori %iota3A, %xor3A_239 : vector<16xi32>
    %lt3A_241 = arith.constant 0 : i32
    %lt3A_242 = vector.broadcast %lt3A_241 : i32 to vector<16xi32>
    %lt3A_243 = arith.cmpi slt, %xor3A_240, %lt3A_242 : vector<16xi32>
    %add3A_244 = arith.constant 16 : i32
    %add3A_245 = vector.broadcast %add3A_244 : i32 to vector<16xi32>
    %add3A_246 = arith.addi %xor3A_240, %add3A_245 : vector<16xi32>
    %select_n3A_247 = arith.select %lt3A_243, %add3A_246, %xor3A_240 : vector<16xi1>, vector<16xi32>
    %broadcast_in_dim3A_248 = vector.shape_cast %select_n3A_247 : vector<16xi32> to vector<16x1xi32>
    %gather3A_249 = vector.shape_cast %broadcast_in_dim3A_248 : vector<16x1xi32> to vector<16xi32>
    %gather3A_250 = tpu.dynamic_gather %select_n3A_237[%gather3A_249] in [0] : vector<16xf32>, vector<16xi32> -> vector<16xf32>
    %max3A_251 = arith.maximumf %select_n3A_237, %gather3A_250 : vector<16xf32>
    %xor3A_252 = arith.constant 2 : i32
    %xor3A_253 = vector.broadcast %xor3A_252 : i32 to vector<16xi32>
    %xor3A_254 = arith.xori %iota3A, %xor3A_253 : vector<16xi32>
    %lt3A_255 = arith.constant 0 : i32
    %lt3A_256 = vector.broadcast %lt3A_255 : i32 to vector<16xi32>
    %lt3A_257 = arith.cmpi slt, %xor3A_254, %lt3A_256 : vector<16xi32>
    %add3A_258 = arith.constant 16 : i32
    %add3A_259 = vector.broadcast %add3A_258 : i32 to vector<16xi32>
    %add3A_260 = arith.addi %xor3A_254, %add3A_259 : vector<16xi32>
    %select_n3A_261 = arith.select %lt3A_257, %add3A_260, %xor3A_254 : vector<16xi1>, vector<16xi32>
    %broadcast_in_dim3A_262 = vector.shape_cast %select_n3A_261 : vector<16xi32> to vector<16x1xi32>
    %gather3A_263 = vector.shape_cast %broadcast_in_dim3A_262 : vector<16x1xi32> to vector<16xi32>
    %gather3A_264 = tpu.dynamic_gather %max3A_251[%gather3A_263] in [0] : vector<16xf32>, vector<16xi32> -> vector<16xf32>
    %max3A_265 = arith.maximumf %max3A_251, %gather3A_264 : vector<16xf32>
    %xor3A_266 = arith.constant 4 : i32
    %xor3A_267 = vector.broadcast %xor3A_266 : i32 to vector<16xi32>
    %xor3A_268 = arith.xori %iota3A, %xor3A_267 : vector<16xi32>
    %lt3A_269 = arith.constant 0 : i32
    %lt3A_270 = vector.broadcast %lt3A_269 : i32 to vector<16xi32>
    %lt3A_271 = arith.cmpi slt, %xor3A_268, %lt3A_270 : vector<16xi32>
    %add3A_272 = arith.constant 16 : i32
    %add3A_273 = vector.broadcast %add3A_272 : i32 to vector<16xi32>
    %add3A_274 = arith.addi %xor3A_268, %add3A_273 : vector<16xi32>
    %select_n3A_275 = arith.select %lt3A_271, %add3A_274, %xor3A_268 : vector<16xi1>, vector<16xi32>
    %broadcast_in_dim3A_276 = vector.shape_cast %select_n3A_275 : vector<16xi32> to vector<16x1xi32>
    %gather3A_277 = vector.shape_cast %broadcast_in_dim3A_276 : vector<16x1xi32> to vector<16xi32>
    %gather3A_278 = tpu.dynamic_gather %max3A_265[%gather3A_277] in [0] : vector<16xf32>, vector<16xi32> -> vector<16xf32>
    %max3A_279 = arith.maximumf %max3A_265, %gather3A_278 : vector<16xf32>
    %xor3A_280 = arith.constant 8 : i32
    %xor3A_281 = vector.broadcast %xor3A_280 : i32 to vector<16xi32>
    %xor3A_282 = arith.xori %iota3A, %xor3A_281 : vector<16xi32>
    %lt3A_283 = arith.constant 0 : i32
    %lt3A_284 = vector.broadcast %lt3A_283 : i32 to vector<16xi32>
    %lt3A_285 = arith.cmpi slt, %xor3A_282, %lt3A_284 : vector<16xi32>
    %add3A_286 = arith.constant 16 : i32
    %add3A_287 = vector.broadcast %add3A_286 : i32 to vector<16xi32>
    %add3A_288 = arith.addi %xor3A_282, %add3A_287 : vector<16xi32>
    %select_n3A_289 = arith.select %lt3A_285, %add3A_288, %xor3A_282 : vector<16xi1>, vector<16xi32>
    %broadcast_in_dim3A_290 = vector.shape_cast %select_n3A_289 : vector<16xi32> to vector<16x1xi32>
    %gather3A_291 = vector.shape_cast %broadcast_in_dim3A_290 : vector<16x1xi32> to vector<16xi32>
    %gather3A_292 = tpu.dynamic_gather %max3A_279[%gather3A_291] in [0] : vector<16xf32>, vector<16xi32> -> vector<16xf32>
    %max3A_293 = arith.maximumf %max3A_279, %gather3A_292 : vector<16xf32>
    %eq3A_294 = arith.cmpf oeq, %select_n3A_237, %max3A_293 : vector<16xf32>
    %jit3A_295 = arith.constant 16 : i32
    %broadcast_in_dim3A_296 = vector.broadcast %jit3A_295 : i32 to vector<16xi32>
    %select_n3A_297 = arith.select %eq3A_294, %iota3A, %broadcast_in_dim3A_296 : vector<16xi1>, vector<16xi32>
    %xor3A_298 = arith.constant 1 : i32
    %xor3A_299 = vector.broadcast %xor3A_298 : i32 to vector<16xi32>
    %xor3A_300 = arith.xori %iota3A, %xor3A_299 : vector<16xi32>
    %lt3A_301 = arith.constant 0 : i32
    %lt3A_302 = vector.broadcast %lt3A_301 : i32 to vector<16xi32>
    %lt3A_303 = arith.cmpi slt, %xor3A_300, %lt3A_302 : vector<16xi32>
    %add3A_304 = arith.constant 16 : i32
    %add3A_305 = vector.broadcast %add3A_304 : i32 to vector<16xi32>
    %add3A_306 = arith.addi %xor3A_300, %add3A_305 : vector<16xi32>
    %select_n3A_307 = arith.select %lt3A_303, %add3A_306, %xor3A_300 : vector<16xi1>, vector<16xi32>
    %broadcast_in_dim3A_308 = vector.shape_cast %select_n3A_307 : vector<16xi32> to vector<16x1xi32>
    %gather3A_309 = vector.shape_cast %broadcast_in_dim3A_308 : vector<16x1xi32> to vector<16xi32>
    %gather3A_310 = tpu.dynamic_gather %select_n3A_297[%gather3A_309] in [0] : vector<16xi32>, vector<16xi32> -> vector<16xi32>
    %min3A_311 = arith.minsi %select_n3A_297, %gather3A_310 : vector<16xi32>
    %xor3A_312 = arith.constant 2 : i32
    %xor3A_313 = vector.broadcast %xor3A_312 : i32 to vector<16xi32>
    %xor3A_314 = arith.xori %iota3A, %xor3A_313 : vector<16xi32>
    %lt3A_315 = arith.constant 0 : i32
    %lt3A_316 = vector.broadcast %lt3A_315 : i32 to vector<16xi32>
    %lt3A_317 = arith.cmpi slt, %xor3A_314, %lt3A_316 : vector<16xi32>
    %add3A_318 = arith.constant 16 : i32
    %add3A_319 = vector.broadcast %add3A_318 : i32 to vector<16xi32>
    %add3A_320 = arith.addi %xor3A_314, %add3A_319 : vector<16xi32>
    %select_n3A_321 = arith.select %lt3A_317, %add3A_320, %xor3A_314 : vector<16xi1>, vector<16xi32>
    %broadcast_in_dim3A_322 = vector.shape_cast %select_n3A_321 : vector<16xi32> to vector<16x1xi32>
    %gather3A_323 = vector.shape_cast %broadcast_in_dim3A_322 : vector<16x1xi32> to vector<16xi32>
    %gather3A_324 = tpu.dynamic_gather %min3A_311[%gather3A_323] in [0] : vector<16xi32>, vector<16xi32> -> vector<16xi32>
    %min3A_325 = arith.minsi %min3A_311, %gather3A_324 : vector<16xi32>
    %xor3A_326 = arith.constant 4 : i32
    %xor3A_327 = vector.broadcast %xor3A_326 : i32 to vector<16xi32>
    %xor3A_328 = arith.xori %iota3A, %xor3A_327 : vector<16xi32>
    %lt3A_329 = arith.constant 0 : i32
    %lt3A_330 = vector.broadcast %lt3A_329 : i32 to vector<16xi32>
    %lt3A_331 = arith.cmpi slt, %xor3A_328, %lt3A_330 : vector<16xi32>
    %add3A_332 = arith.constant 16 : i32
    %add3A_333 = vector.broadcast %add3A_332 : i32 to vector<16xi32>
    %add3A_334 = arith.addi %xor3A_328, %add3A_333 : vector<16xi32>
    %select_n3A_335 = arith.select %lt3A_331, %add3A_334, %xor3A_328 : vector<16xi1>, vector<16xi32>
    %broadcast_in_dim3A_336 = vector.shape_cast %select_n3A_335 : vector<16xi32> to vector<16x1xi32>
    %gather3A_337 = vector.shape_cast %broadcast_in_dim3A_336 : vector<16x1xi32> to vector<16xi32>
    %gather3A_338 = tpu.dynamic_gather %min3A_325[%gather3A_337] in [0] : vector<16xi32>, vector<16xi32> -> vector<16xi32>
    %min3A_339 = arith.minsi %min3A_325, %gather3A_338 : vector<16xi32>
    %xor3A_340 = arith.constant 8 : i32
    %xor3A_341 = vector.broadcast %xor3A_340 : i32 to vector<16xi32>
    %xor3A_342 = arith.xori %iota3A, %xor3A_341 : vector<16xi32>
    %lt3A_343 = arith.constant 0 : i32
    %lt3A_344 = vector.broadcast %lt3A_343 : i32 to vector<16xi32>
    %lt3A_345 = arith.cmpi slt, %xor3A_342, %lt3A_344 : vector<16xi32>
    %add3A_346 = arith.constant 16 : i32
    %add3A_347 = vector.broadcast %add3A_346 : i32 to vector<16xi32>
    %add3A_348 = arith.addi %xor3A_342, %add3A_347 : vector<16xi32>
    %select_n3A_349 = arith.select %lt3A_345, %add3A_348, %xor3A_342 : vector<16xi1>, vector<16xi32>
    %broadcast_in_dim3A_350 = vector.shape_cast %select_n3A_349 : vector<16xi32> to vector<16x1xi32>
    %gather3A_351 = vector.shape_cast %broadcast_in_dim3A_350 : vector<16x1xi32> to vector<16xi32>
    %gather3A_352 = tpu.dynamic_gather %min3A_339[%gather3A_351] in [0] : vector<16xi32>, vector<16xi32> -> vector<16xi32>
    %min3A_353 = arith.minsi %min3A_339, %gather3A_352 : vector<16xi32>
    %eq3A_354 = arith.cmpi eq, %iota3A, %min3A_353 : vector<16xi32>
    %or3A_355 = arith.ori %or3A_234, %eq3A_354 : vector<16xi1>
    %jit3A_356 = arith.constant 0xFF800000 : f32
    %broadcast_in_dim3A_357 = vector.broadcast %jit3A_356 : f32 to vector<16xf32>
    %select_n3A_358 = arith.select %eq3A_354, %broadcast_in_dim3A_357, %select_n3A_237 : vector<16xi1>, vector<16xf32>
    %xor3A_359 = arith.constant 1 : i32
    %xor3A_360 = vector.broadcast %xor3A_359 : i32 to vector<16xi32>
    %xor3A_361 = arith.xori %iota3A, %xor3A_360 : vector<16xi32>
    %lt3A_362 = arith.constant 0 : i32
    %lt3A_363 = vector.broadcast %lt3A_362 : i32 to vector<16xi32>
    %lt3A_364 = arith.cmpi slt, %xor3A_361, %lt3A_363 : vector<16xi32>
    %add3A_365 = arith.constant 16 : i32
    %add3A_366 = vector.broadcast %add3A_365 : i32 to vector<16xi32>
    %add3A_367 = arith.addi %xor3A_361, %add3A_366 : vector<16xi32>
    %select_n3A_368 = arith.select %lt3A_364, %add3A_367, %xor3A_361 : vector<16xi1>, vector<16xi32>
    %broadcast_in_dim3A_369 = vector.shape_cast %select_n3A_368 : vector<16xi32> to vector<16x1xi32>
    %gather3A_370 = vector.shape_cast %broadcast_in_dim3A_369 : vector<16x1xi32> to vector<16xi32>
    %gather3A_371 = tpu.dynamic_gather %select_n3A_358[%gather3A_370] in [0] : vector<16xf32>, vector<16xi32> -> vector<16xf32>
    %max3A_372 = arith.maximumf %select_n3A_358, %gather3A_371 : vector<16xf32>
    %xor3A_373 = arith.constant 2 : i32
    %xor3A_374 = vector.broadcast %xor3A_373 : i32 to vector<16xi32>
    %xor3A_375 = arith.xori %iota3A, %xor3A_374 : vector<16xi32>
    %lt3A_376 = arith.constant 0 : i32
    %lt3A_377 = vector.broadcast %lt3A_376 : i32 to vector<16xi32>
    %lt3A_378 = arith.cmpi slt, %xor3A_375, %lt3A_377 : vector<16xi32>
    %add3A_379 = arith.constant 16 : i32
    %add3A_380 = vector.broadcast %add3A_379 : i32 to vector<16xi32>
    %add3A_381 = arith.addi %xor3A_375, %add3A_380 : vector<16xi32>
    %select_n3A_382 = arith.select %lt3A_378, %add3A_381, %xor3A_375 : vector<16xi1>, vector<16xi32>
    %broadcast_in_dim3A_383 = vector.shape_cast %select_n3A_382 : vector<16xi32> to vector<16x1xi32>
    %gather3A_384 = vector.shape_cast %broadcast_in_dim3A_383 : vector<16x1xi32> to vector<16xi32>
    %gather3A_385 = tpu.dynamic_gather %max3A_372[%gather3A_384] in [0] : vector<16xf32>, vector<16xi32> -> vector<16xf32>
    %max3A_386 = arith.maximumf %max3A_372, %gather3A_385 : vector<16xf32>
    %xor3A_387 = arith.constant 4 : i32
    %xor3A_388 = vector.broadcast %xor3A_387 : i32 to vector<16xi32>
    %xor3A_389 = arith.xori %iota3A, %xor3A_388 : vector<16xi32>
    %lt3A_390 = arith.constant 0 : i32
    %lt3A_391 = vector.broadcast %lt3A_390 : i32 to vector<16xi32>
    %lt3A_392 = arith.cmpi slt, %xor3A_389, %lt3A_391 : vector<16xi32>
    %add3A_393 = arith.constant 16 : i32
    %add3A_394 = vector.broadcast %add3A_393 : i32 to vector<16xi32>
    %add3A_395 = arith.addi %xor3A_389, %add3A_394 : vector<16xi32>
    %select_n3A_396 = arith.select %lt3A_392, %add3A_395, %xor3A_389 : vector<16xi1>, vector<16xi32>
    %broadcast_in_dim3A_397 = vector.shape_cast %select_n3A_396 : vector<16xi32> to vector<16x1xi32>
    %gather3A_398 = vector.shape_cast %broadcast_in_dim3A_397 : vector<16x1xi32> to vector<16xi32>
    %gather3A_399 = tpu.dynamic_gather %max3A_386[%gather3A_398] in [0] : vector<16xf32>, vector<16xi32> -> vector<16xf32>
    %max3A_400 = arith.maximumf %max3A_386, %gather3A_399 : vector<16xf32>
    %xor3A_401 = arith.constant 8 : i32
    %xor3A_402 = vector.broadcast %xor3A_401 : i32 to vector<16xi32>
    %xor3A_403 = arith.xori %iota3A, %xor3A_402 : vector<16xi32>
    %lt3A_404 = arith.constant 0 : i32
    %lt3A_405 = vector.broadcast %lt3A_404 : i32 to vector<16xi32>
    %lt3A_406 = arith.cmpi slt, %xor3A_403, %lt3A_405 : vector<16xi32>
    %add3A_407 = arith.constant 16 : i32
    %add3A_408 = vector.broadcast %add3A_407 : i32 to vector<16xi32>
    %add3A_409 = arith.addi %xor3A_403, %add3A_408 : vector<16xi32>
    %select_n3A_410 = arith.select %lt3A_406, %add3A_409, %xor3A_403 : vector<16xi1>, vector<16xi32>
    %broadcast_in_dim3A_411 = vector.shape_cast %select_n3A_410 : vector<16xi32> to vector<16x1xi32>
    %gather3A_412 = vector.shape_cast %broadcast_in_dim3A_411 : vector<16x1xi32> to vector<16xi32>
    %gather3A_413 = tpu.dynamic_gather %max3A_400[%gather3A_412] in [0] : vector<16xf32>, vector<16xi32> -> vector<16xf32>
    %max3A_414 = arith.maximumf %max3A_400, %gather3A_413 : vector<16xf32>
    %eq3A_415 = arith.cmpf oeq, %select_n3A_358, %max3A_414 : vector<16xf32>
    %jit3A_416 = arith.constant 16 : i32
    %broadcast_in_dim3A_417 = vector.broadcast %jit3A_416 : i32 to vector<16xi32>
    %select_n3A_418 = arith.select %eq3A_415, %iota3A, %broadcast_in_dim3A_417 : vector<16xi1>, vector<16xi32>
    %xor3A_419 = arith.constant 1 : i32
    %xor3A_420 = vector.broadcast %xor3A_419 : i32 to vector<16xi32>
    %xor3A_421 = arith.xori %iota3A, %xor3A_420 : vector<16xi32>
    %lt3A_422 = arith.constant 0 : i32
    %lt3A_423 = vector.broadcast %lt3A_422 : i32 to vector<16xi32>
    %lt3A_424 = arith.cmpi slt, %xor3A_421, %lt3A_423 : vector<16xi32>
    %add3A_425 = arith.constant 16 : i32
    %add3A_426 = vector.broadcast %add3A_425 : i32 to vector<16xi32>
    %add3A_427 = arith.addi %xor3A_421, %add3A_426 : vector<16xi32>
    %select_n3A_428 = arith.select %lt3A_424, %add3A_427, %xor3A_421 : vector<16xi1>, vector<16xi32>
    %broadcast_in_dim3A_429 = vector.shape_cast %select_n3A_428 : vector<16xi32> to vector<16x1xi32>
    %gather3A_430 = vector.shape_cast %broadcast_in_dim3A_429 : vector<16x1xi32> to vector<16xi32>
    %gather3A_431 = tpu.dynamic_gather %select_n3A_418[%gather3A_430] in [0] : vector<16xi32>, vector<16xi32> -> vector<16xi32>
    %min3A_432 = arith.minsi %select_n3A_418, %gather3A_431 : vector<16xi32>
    %xor3A_433 = arith.constant 2 : i32
    %xor3A_434 = vector.broadcast %xor3A_433 : i32 to vector<16xi32>
    %xor3A_435 = arith.xori %iota3A, %xor3A_434 : vector<16xi32>
    %lt3A_436 = arith.constant 0 : i32
    %lt3A_437 = vector.broadcast %lt3A_436 : i32 to vector<16xi32>
    %lt3A_438 = arith.cmpi slt, %xor3A_435, %lt3A_437 : vector<16xi32>
    %add3A_439 = arith.constant 16 : i32
    %add3A_440 = vector.broadcast %add3A_439 : i32 to vector<16xi32>
    %add3A_441 = arith.addi %xor3A_435, %add3A_440 : vector<16xi32>
    %select_n3A_442 = arith.select %lt3A_438, %add3A_441, %xor3A_435 : vector<16xi1>, vector<16xi32>
    %broadcast_in_dim3A_443 = vector.shape_cast %select_n3A_442 : vector<16xi32> to vector<16x1xi32>
    %gather3A_444 = vector.shape_cast %broadcast_in_dim3A_443 : vector<16x1xi32> to vector<16xi32>
    %gather3A_445 = tpu.dynamic_gather %min3A_432[%gather3A_444] in [0] : vector<16xi32>, vector<16xi32> -> vector<16xi32>
    %min3A_446 = arith.minsi %min3A_432, %gather3A_445 : vector<16xi32>
    %xor3A_447 = arith.constant 4 : i32
    %xor3A_448 = vector.broadcast %xor3A_447 : i32 to vector<16xi32>
    %xor3A_449 = arith.xori %iota3A, %xor3A_448 : vector<16xi32>
    %lt3A_450 = arith.constant 0 : i32
    %lt3A_451 = vector.broadcast %lt3A_450 : i32 to vector<16xi32>
    %lt3A_452 = arith.cmpi slt, %xor3A_449, %lt3A_451 : vector<16xi32>
    %add3A_453 = arith.constant 16 : i32
    %add3A_454 = vector.broadcast %add3A_453 : i32 to vector<16xi32>
    %add3A_455 = arith.addi %xor3A_449, %add3A_454 : vector<16xi32>
    %select_n3A_456 = arith.select %lt3A_452, %add3A_455, %xor3A_449 : vector<16xi1>, vector<16xi32>
    %broadcast_in_dim3A_457 = vector.shape_cast %select_n3A_456 : vector<16xi32> to vector<16x1xi32>
    %gather3A_458 = vector.shape_cast %broadcast_in_dim3A_457 : vector<16x1xi32> to vector<16xi32>
    %gather3A_459 = tpu.dynamic_gather %min3A_446[%gather3A_458] in [0] : vector<16xi32>, vector<16xi32> -> vector<16xi32>
    %min3A_460 = arith.minsi %min3A_446, %gather3A_459 : vector<16xi32>
    %xor3A_461 = arith.constant 8 : i32
    %xor3A_462 = vector.broadcast %xor3A_461 : i32 to vector<16xi32>
    %xor3A_463 = arith.xori %iota3A, %xor3A_462 : vector<16xi32>
    %lt3A_464 = arith.constant 0 : i32
    %lt3A_465 = vector.broadcast %lt3A_464 : i32 to vector<16xi32>
    %lt3A_466 = arith.cmpi slt, %xor3A_463, %lt3A_465 : vector<16xi32>
    %add3A_467 = arith.constant 16 : i32
    %add3A_468 = vector.broadcast %add3A_467 : i32 to vector<16xi32>
    %add3A_469 = arith.addi %xor3A_463, %add3A_468 : vector<16xi32>
    %select_n3A_470 = arith.select %lt3A_466, %add3A_469, %xor3A_463 : vector<16xi1>, vector<16xi32>
    %broadcast_in_dim3A_471 = vector.shape_cast %select_n3A_470 : vector<16xi32> to vector<16x1xi32>
    %gather3A_472 = vector.shape_cast %broadcast_in_dim3A_471 : vector<16x1xi32> to vector<16xi32>
    %gather3A_473 = tpu.dynamic_gather %min3A_460[%gather3A_472] in [0] : vector<16xi32>, vector<16xi32> -> vector<16xi32>
    %min3A_474 = arith.minsi %min3A_460, %gather3A_473 : vector<16xi32>
    %eq3A_475 = arith.cmpi eq, %iota3A, %min3A_474 : vector<16xi32>
    %or3A_476 = arith.ori %or3A_355, %eq3A_475 : vector<16xi1>
    %jit3A_477 = arith.constant 0xFF800000 : f32
    %broadcast_in_dim3A_478 = vector.broadcast %jit3A_477 : f32 to vector<16xf32>
    %select_n3A_479 = arith.select %eq3A_475, %broadcast_in_dim3A_478, %select_n3A_358 : vector<16xi1>, vector<16xf32>
    %xor3A_480 = arith.constant 1 : i32
    %xor3A_481 = vector.broadcast %xor3A_480 : i32 to vector<16xi32>
    %xor3A_482 = arith.xori %iota3A, %xor3A_481 : vector<16xi32>
    %lt3A_483 = arith.constant 0 : i32
    %lt3A_484 = vector.broadcast %lt3A_483 : i32 to vector<16xi32>
    %lt3A_485 = arith.cmpi slt, %xor3A_482, %lt3A_484 : vector<16xi32>
    %add3A_486 = arith.constant 16 : i32
    %add3A_487 = vector.broadcast %add3A_486 : i32 to vector<16xi32>
    %add3A_488 = arith.addi %xor3A_482, %add3A_487 : vector<16xi32>
    %select_n3A_489 = arith.select %lt3A_485, %add3A_488, %xor3A_482 : vector<16xi1>, vector<16xi32>
    %broadcast_in_dim3A_490 = vector.shape_cast %select_n3A_489 : vector<16xi32> to vector<16x1xi32>
    %gather3A_491 = vector.shape_cast %broadcast_in_dim3A_490 : vector<16x1xi32> to vector<16xi32>
    %gather3A_492 = tpu.dynamic_gather %select_n3A_479[%gather3A_491] in [0] : vector<16xf32>, vector<16xi32> -> vector<16xf32>
    %max3A_493 = arith.maximumf %select_n3A_479, %gather3A_492 : vector<16xf32>
    %xor3A_494 = arith.constant 2 : i32
    %xor3A_495 = vector.broadcast %xor3A_494 : i32 to vector<16xi32>
    %xor3A_496 = arith.xori %iota3A, %xor3A_495 : vector<16xi32>
    %lt3A_497 = arith.constant 0 : i32
    %lt3A_498 = vector.broadcast %lt3A_497 : i32 to vector<16xi32>
    %lt3A_499 = arith.cmpi slt, %xor3A_496, %lt3A_498 : vector<16xi32>
    %add3A_500 = arith.constant 16 : i32
    %add3A_501 = vector.broadcast %add3A_500 : i32 to vector<16xi32>
    %add3A_502 = arith.addi %xor3A_496, %add3A_501 : vector<16xi32>
    %select_n3A_503 = arith.select %lt3A_499, %add3A_502, %xor3A_496 : vector<16xi1>, vector<16xi32>
    %broadcast_in_dim3A_504 = vector.shape_cast %select_n3A_503 : vector<16xi32> to vector<16x1xi32>
    %gather3A_505 = vector.shape_cast %broadcast_in_dim3A_504 : vector<16x1xi32> to vector<16xi32>
    %gather3A_506 = tpu.dynamic_gather %max3A_493[%gather3A_505] in [0] : vector<16xf32>, vector<16xi32> -> vector<16xf32>
    %max3A_507 = arith.maximumf %max3A_493, %gather3A_506 : vector<16xf32>
    %xor3A_508 = arith.constant 4 : i32
    %xor3A_509 = vector.broadcast %xor3A_508 : i32 to vector<16xi32>
    %xor3A_510 = arith.xori %iota3A, %xor3A_509 : vector<16xi32>
    %lt3A_511 = arith.constant 0 : i32
    %lt3A_512 = vector.broadcast %lt3A_511 : i32 to vector<16xi32>
    %lt3A_513 = arith.cmpi slt, %xor3A_510, %lt3A_512 : vector<16xi32>
    %add3A_514 = arith.constant 16 : i32
    %add3A_515 = vector.broadcast %add3A_514 : i32 to vector<16xi32>
    %add3A_516 = arith.addi %xor3A_510, %add3A_515 : vector<16xi32>
    %select_n3A_517 = arith.select %lt3A_513, %add3A_516, %xor3A_510 : vector<16xi1>, vector<16xi32>
    %broadcast_in_dim3A_518 = vector.shape_cast %select_n3A_517 : vector<16xi32> to vector<16x1xi32>
    %gather3A_519 = vector.shape_cast %broadcast_in_dim3A_518 : vector<16x1xi32> to vector<16xi32>
    %gather3A_520 = tpu.dynamic_gather %max3A_507[%gather3A_519] in [0] : vector<16xf32>, vector<16xi32> -> vector<16xf32>
    %max3A_521 = arith.maximumf %max3A_507, %gather3A_520 : vector<16xf32>
    %xor3A_522 = arith.constant 8 : i32
    %xor3A_523 = vector.broadcast %xor3A_522 : i32 to vector<16xi32>
    %xor3A_524 = arith.xori %iota3A, %xor3A_523 : vector<16xi32>
    %lt3A_525 = arith.constant 0 : i32
    %lt3A_526 = vector.broadcast %lt3A_525 : i32 to vector<16xi32>
    %lt3A_527 = arith.cmpi slt, %xor3A_524, %lt3A_526 : vector<16xi32>
    %add3A_528 = arith.constant 16 : i32
    %add3A_529 = vector.broadcast %add3A_528 : i32 to vector<16xi32>
    %add3A_530 = arith.addi %xor3A_524, %add3A_529 : vector<16xi32>
    %select_n3A_531 = arith.select %lt3A_527, %add3A_530, %xor3A_524 : vector<16xi1>, vector<16xi32>
    %broadcast_in_dim3A_532 = vector.shape_cast %select_n3A_531 : vector<16xi32> to vector<16x1xi32>
    %gather3A_533 = vector.shape_cast %broadcast_in_dim3A_532 : vector<16x1xi32> to vector<16xi32>
    %gather3A_534 = tpu.dynamic_gather %max3A_521[%gather3A_533] in [0] : vector<16xf32>, vector<16xi32> -> vector<16xf32>
    %max3A_535 = arith.maximumf %max3A_521, %gather3A_534 : vector<16xf32>
    %eq3A_536 = arith.cmpf oeq, %select_n3A_479, %max3A_535 : vector<16xf32>
    %jit3A_537 = arith.constant 16 : i32
    %broadcast_in_dim3A_538 = vector.broadcast %jit3A_537 : i32 to vector<16xi32>
    %select_n3A_539 = arith.select %eq3A_536, %iota3A, %broadcast_in_dim3A_538 : vector<16xi1>, vector<16xi32>
    %xor3A_540 = arith.constant 1 : i32
    %xor3A_541 = vector.broadcast %xor3A_540 : i32 to vector<16xi32>
    %xor3A_542 = arith.xori %iota3A, %xor3A_541 : vector<16xi32>
    %lt3A_543 = arith.constant 0 : i32
    %lt3A_544 = vector.broadcast %lt3A_543 : i32 to vector<16xi32>
    %lt3A_545 = arith.cmpi slt, %xor3A_542, %lt3A_544 : vector<16xi32>
    %add3A_546 = arith.constant 16 : i32
    %add3A_547 = vector.broadcast %add3A_546 : i32 to vector<16xi32>
    %add3A_548 = arith.addi %xor3A_542, %add3A_547 : vector<16xi32>
    %select_n3A_549 = arith.select %lt3A_545, %add3A_548, %xor3A_542 : vector<16xi1>, vector<16xi32>
    %broadcast_in_dim3A_550 = vector.shape_cast %select_n3A_549 : vector<16xi32> to vector<16x1xi32>
    %gather3A_551 = vector.shape_cast %broadcast_in_dim3A_550 : vector<16x1xi32> to vector<16xi32>
    %gather3A_552 = tpu.dynamic_gather %select_n3A_539[%gather3A_551] in [0] : vector<16xi32>, vector<16xi32> -> vector<16xi32>
    %min3A_553 = arith.minsi %select_n3A_539, %gather3A_552 : vector<16xi32>
    %xor3A_554 = arith.constant 2 : i32
    %xor3A_555 = vector.broadcast %xor3A_554 : i32 to vector<16xi32>
    %xor3A_556 = arith.xori %iota3A, %xor3A_555 : vector<16xi32>
    %lt3A_557 = arith.constant 0 : i32
    %lt3A_558 = vector.broadcast %lt3A_557 : i32 to vector<16xi32>
    %lt3A_559 = arith.cmpi slt, %xor3A_556, %lt3A_558 : vector<16xi32>
    %add3A_560 = arith.constant 16 : i32
    %add3A_561 = vector.broadcast %add3A_560 : i32 to vector<16xi32>
    %add3A_562 = arith.addi %xor3A_556, %add3A_561 : vector<16xi32>
    %select_n3A_563 = arith.select %lt3A_559, %add3A_562, %xor3A_556 : vector<16xi1>, vector<16xi32>
    %broadcast_in_dim3A_564 = vector.shape_cast %select_n3A_563 : vector<16xi32> to vector<16x1xi32>
    %gather3A_565 = vector.shape_cast %broadcast_in_dim3A_564 : vector<16x1xi32> to vector<16xi32>
    %gather3A_566 = tpu.dynamic_gather %min3A_553[%gather3A_565] in [0] : vector<16xi32>, vector<16xi32> -> vector<16xi32>
    %min3A_567 = arith.minsi %min3A_553, %gather3A_566 : vector<16xi32>
    %xor3A_568 = arith.constant 4 : i32
    %xor3A_569 = vector.broadcast %xor3A_568 : i32 to vector<16xi32>
    %xor3A_570 = arith.xori %iota3A, %xor3A_569 : vector<16xi32>
    %lt3A_571 = arith.constant 0 : i32
    %lt3A_572 = vector.broadcast %lt3A_571 : i32 to vector<16xi32>
    %lt3A_573 = arith.cmpi slt, %xor3A_570, %lt3A_572 : vector<16xi32>
    %add3A_574 = arith.constant 16 : i32
    %add3A_575 = vector.broadcast %add3A_574 : i32 to vector<16xi32>
    %add3A_576 = arith.addi %xor3A_570, %add3A_575 : vector<16xi32>
    %select_n3A_577 = arith.select %lt3A_573, %add3A_576, %xor3A_570 : vector<16xi1>, vector<16xi32>
    %broadcast_in_dim3A_578 = vector.shape_cast %select_n3A_577 : vector<16xi32> to vector<16x1xi32>
    %gather3A_579 = vector.shape_cast %broadcast_in_dim3A_578 : vector<16x1xi32> to vector<16xi32>
    %gather3A_580 = tpu.dynamic_gather %min3A_567[%gather3A_579] in [0] : vector<16xi32>, vector<16xi32> -> vector<16xi32>
    %min3A_581 = arith.minsi %min3A_567, %gather3A_580 : vector<16xi32>
    %xor3A_582 = arith.constant 8 : i32
    %xor3A_583 = vector.broadcast %xor3A_582 : i32 to vector<16xi32>
    %xor3A_584 = arith.xori %iota3A, %xor3A_583 : vector<16xi32>
    %lt3A_585 = arith.constant 0 : i32
    %lt3A_586 = vector.broadcast %lt3A_585 : i32 to vector<16xi32>
    %lt3A_587 = arith.cmpi slt, %xor3A_584, %lt3A_586 : vector<16xi32>
    %add3A_588 = arith.constant 16 : i32
    %add3A_589 = vector.broadcast %add3A_588 : i32 to vector<16xi32>
    %add3A_590 = arith.addi %xor3A_584, %add3A_589 : vector<16xi32>
    %select_n3A_591 = arith.select %lt3A_587, %add3A_590, %xor3A_584 : vector<16xi1>, vector<16xi32>
    %broadcast_in_dim3A_592 = vector.shape_cast %select_n3A_591 : vector<16xi32> to vector<16x1xi32>
    %gather3A_593 = vector.shape_cast %broadcast_in_dim3A_592 : vector<16x1xi32> to vector<16xi32>
    %gather3A_594 = tpu.dynamic_gather %min3A_581[%gather3A_593] in [0] : vector<16xi32>, vector<16xi32> -> vector<16xi32>
    %min3A_595 = arith.minsi %min3A_581, %gather3A_594 : vector<16xi32>
    %eq3A_596 = arith.cmpi eq, %iota3A, %min3A_595 : vector<16xi32>
    %or3A_597 = arith.ori %or3A_476, %eq3A_596 : vector<16xi1>
    %jit3A_598 = arith.constant 0xFF800000 : f32
    %broadcast_in_dim3A_599 = vector.broadcast %jit3A_598 : f32 to vector<16xf32>
    %select_n3A_600 = arith.select %eq3A_596, %broadcast_in_dim3A_599, %select_n3A_479 : vector<16xi1>, vector<16xf32>
    %xor3A_601 = arith.constant 1 : i32
    %xor3A_602 = vector.broadcast %xor3A_601 : i32 to vector<16xi32>
    %xor3A_603 = arith.xori %iota3A, %xor3A_602 : vector<16xi32>
    %lt3A_604 = arith.constant 0 : i32
    %lt3A_605 = vector.broadcast %lt3A_604 : i32 to vector<16xi32>
    %lt3A_606 = arith.cmpi slt, %xor3A_603, %lt3A_605 : vector<16xi32>
    %add3A_607 = arith.constant 16 : i32
    %add3A_608 = vector.broadcast %add3A_607 : i32 to vector<16xi32>
    %add3A_609 = arith.addi %xor3A_603, %add3A_608 : vector<16xi32>
    %select_n3A_610 = arith.select %lt3A_606, %add3A_609, %xor3A_603 : vector<16xi1>, vector<16xi32>
    %broadcast_in_dim3A_611 = vector.shape_cast %select_n3A_610 : vector<16xi32> to vector<16x1xi32>
    %gather3A_612 = vector.shape_cast %broadcast_in_dim3A_611 : vector<16x1xi32> to vector<16xi32>
    %gather3A_613 = tpu.dynamic_gather %select_n3A_600[%gather3A_612] in [0] : vector<16xf32>, vector<16xi32> -> vector<16xf32>
    %max3A_614 = arith.maximumf %select_n3A_600, %gather3A_613 : vector<16xf32>
    %xor3A_615 = arith.constant 2 : i32
    %xor3A_616 = vector.broadcast %xor3A_615 : i32 to vector<16xi32>
    %xor3A_617 = arith.xori %iota3A, %xor3A_616 : vector<16xi32>
    %lt3A_618 = arith.constant 0 : i32
    %lt3A_619 = vector.broadcast %lt3A_618 : i32 to vector<16xi32>
    %lt3A_620 = arith.cmpi slt, %xor3A_617, %lt3A_619 : vector<16xi32>
    %add3A_621 = arith.constant 16 : i32
    %add3A_622 = vector.broadcast %add3A_621 : i32 to vector<16xi32>
    %add3A_623 = arith.addi %xor3A_617, %add3A_622 : vector<16xi32>
    %select_n3A_624 = arith.select %lt3A_620, %add3A_623, %xor3A_617 : vector<16xi1>, vector<16xi32>
    %broadcast_in_dim3A_625 = vector.shape_cast %select_n3A_624 : vector<16xi32> to vector<16x1xi32>
    %gather3A_626 = vector.shape_cast %broadcast_in_dim3A_625 : vector<16x1xi32> to vector<16xi32>
    %gather3A_627 = tpu.dynamic_gather %max3A_614[%gather3A_626] in [0] : vector<16xf32>, vector<16xi32> -> vector<16xf32>
    %max3A_628 = arith.maximumf %max3A_614, %gather3A_627 : vector<16xf32>
    %xor3A_629 = arith.constant 4 : i32
    %xor3A_630 = vector.broadcast %xor3A_629 : i32 to vector<16xi32>
    %xor3A_631 = arith.xori %iota3A, %xor3A_630 : vector<16xi32>
    %lt3A_632 = arith.constant 0 : i32
    %lt3A_633 = vector.broadcast %lt3A_632 : i32 to vector<16xi32>
    %lt3A_634 = arith.cmpi slt, %xor3A_631, %lt3A_633 : vector<16xi32>
    %add3A_635 = arith.constant 16 : i32
    %add3A_636 = vector.broadcast %add3A_635 : i32 to vector<16xi32>
    %add3A_637 = arith.addi %xor3A_631, %add3A_636 : vector<16xi32>
    %select_n3A_638 = arith.select %lt3A_634, %add3A_637, %xor3A_631 : vector<16xi1>, vector<16xi32>
    %broadcast_in_dim3A_639 = vector.shape_cast %select_n3A_638 : vector<16xi32> to vector<16x1xi32>
    %gather3A_640 = vector.shape_cast %broadcast_in_dim3A_639 : vector<16x1xi32> to vector<16xi32>
    %gather3A_641 = tpu.dynamic_gather %max3A_628[%gather3A_640] in [0] : vector<16xf32>, vector<16xi32> -> vector<16xf32>
    %max3A_642 = arith.maximumf %max3A_628, %gather3A_641 : vector<16xf32>
    %xor3A_643 = arith.constant 8 : i32
    %xor3A_644 = vector.broadcast %xor3A_643 : i32 to vector<16xi32>
    %xor3A_645 = arith.xori %iota3A, %xor3A_644 : vector<16xi32>
    %lt3A_646 = arith.constant 0 : i32
    %lt3A_647 = vector.broadcast %lt3A_646 : i32 to vector<16xi32>
    %lt3A_648 = arith.cmpi slt, %xor3A_645, %lt3A_647 : vector<16xi32>
    %add3A_649 = arith.constant 16 : i32
    %add3A_650 = vector.broadcast %add3A_649 : i32 to vector<16xi32>
    %add3A_651 = arith.addi %xor3A_645, %add3A_650 : vector<16xi32>
    %select_n3A_652 = arith.select %lt3A_648, %add3A_651, %xor3A_645 : vector<16xi1>, vector<16xi32>
    %broadcast_in_dim3A_653 = vector.shape_cast %select_n3A_652 : vector<16xi32> to vector<16x1xi32>
    %gather3A_654 = vector.shape_cast %broadcast_in_dim3A_653 : vector<16x1xi32> to vector<16xi32>
    %gather3A_655 = tpu.dynamic_gather %max3A_642[%gather3A_654] in [0] : vector<16xf32>, vector<16xi32> -> vector<16xf32>
    %max3A_656 = arith.maximumf %max3A_642, %gather3A_655 : vector<16xf32>
    %eq3A_657 = arith.cmpf oeq, %select_n3A_600, %max3A_656 : vector<16xf32>
    %jit3A_658 = arith.constant 16 : i32
    %broadcast_in_dim3A_659 = vector.broadcast %jit3A_658 : i32 to vector<16xi32>
    %select_n3A_660 = arith.select %eq3A_657, %iota3A, %broadcast_in_dim3A_659 : vector<16xi1>, vector<16xi32>
    %xor3A_661 = arith.constant 1 : i32
    %xor3A_662 = vector.broadcast %xor3A_661 : i32 to vector<16xi32>
    %xor3A_663 = arith.xori %iota3A, %xor3A_662 : vector<16xi32>
    %lt3A_664 = arith.constant 0 : i32
    %lt3A_665 = vector.broadcast %lt3A_664 : i32 to vector<16xi32>
    %lt3A_666 = arith.cmpi slt, %xor3A_663, %lt3A_665 : vector<16xi32>
    %add3A_667 = arith.constant 16 : i32
    %add3A_668 = vector.broadcast %add3A_667 : i32 to vector<16xi32>
    %add3A_669 = arith.addi %xor3A_663, %add3A_668 : vector<16xi32>
    %select_n3A_670 = arith.select %lt3A_666, %add3A_669, %xor3A_663 : vector<16xi1>, vector<16xi32>
    %broadcast_in_dim3A_671 = vector.shape_cast %select_n3A_670 : vector<16xi32> to vector<16x1xi32>
    %gather3A_672 = vector.shape_cast %broadcast_in_dim3A_671 : vector<16x1xi32> to vector<16xi32>
    %gather3A_673 = tpu.dynamic_gather %select_n3A_660[%gather3A_672] in [0] : vector<16xi32>, vector<16xi32> -> vector<16xi32>
    %min3A_674 = arith.minsi %select_n3A_660, %gather3A_673 : vector<16xi32>
    %xor3A_675 = arith.constant 2 : i32
    %xor3A_676 = vector.broadcast %xor3A_675 : i32 to vector<16xi32>
    %xor3A_677 = arith.xori %iota3A, %xor3A_676 : vector<16xi32>
    %lt3A_678 = arith.constant 0 : i32
    %lt3A_679 = vector.broadcast %lt3A_678 : i32 to vector<16xi32>
    %lt3A_680 = arith.cmpi slt, %xor3A_677, %lt3A_679 : vector<16xi32>
    %add3A_681 = arith.constant 16 : i32
    %add3A_682 = vector.broadcast %add3A_681 : i32 to vector<16xi32>
    %add3A_683 = arith.addi %xor3A_677, %add3A_682 : vector<16xi32>
    %select_n3A_684 = arith.select %lt3A_680, %add3A_683, %xor3A_677 : vector<16xi1>, vector<16xi32>
    %broadcast_in_dim3A_685 = vector.shape_cast %select_n3A_684 : vector<16xi32> to vector<16x1xi32>
    %gather3A_686 = vector.shape_cast %broadcast_in_dim3A_685 : vector<16x1xi32> to vector<16xi32>
    %gather3A_687 = tpu.dynamic_gather %min3A_674[%gather3A_686] in [0] : vector<16xi32>, vector<16xi32> -> vector<16xi32>
    %min3A_688 = arith.minsi %min3A_674, %gather3A_687 : vector<16xi32>
    %xor3A_689 = arith.constant 4 : i32
    %xor3A_690 = vector.broadcast %xor3A_689 : i32 to vector<16xi32>
    %xor3A_691 = arith.xori %iota3A, %xor3A_690 : vector<16xi32>
    %lt3A_692 = arith.constant 0 : i32
    %lt3A_693 = vector.broadcast %lt3A_692 : i32 to vector<16xi32>
    %lt3A_694 = arith.cmpi slt, %xor3A_691, %lt3A_693 : vector<16xi32>
    %add3A_695 = arith.constant 16 : i32
    %add3A_696 = vector.broadcast %add3A_695 : i32 to vector<16xi32>
    %add3A_697 = arith.addi %xor3A_691, %add3A_696 : vector<16xi32>
    %select_n3A_698 = arith.select %lt3A_694, %add3A_697, %xor3A_691 : vector<16xi1>, vector<16xi32>
    %broadcast_in_dim3A_699 = vector.shape_cast %select_n3A_698 : vector<16xi32> to vector<16x1xi32>
    %gather3A_700 = vector.shape_cast %broadcast_in_dim3A_699 : vector<16x1xi32> to vector<16xi32>
    %gather3A_701 = tpu.dynamic_gather %min3A_688[%gather3A_700] in [0] : vector<16xi32>, vector<16xi32> -> vector<16xi32>
    %min3A_702 = arith.minsi %min3A_688, %gather3A_701 : vector<16xi32>
    %xor3A_703 = arith.constant 8 : i32
    %xor3A_704 = vector.broadcast %xor3A_703 : i32 to vector<16xi32>
    %xor3A_705 = arith.xori %iota3A, %xor3A_704 : vector<16xi32>
    %lt3A_706 = arith.constant 0 : i32
    %lt3A_707 = vector.broadcast %lt3A_706 : i32 to vector<16xi32>
    %lt3A_708 = arith.cmpi slt, %xor3A_705, %lt3A_707 : vector<16xi32>
    %add3A_709 = arith.constant 16 : i32
    %add3A_710 = vector.broadcast %add3A_709 : i32 to vector<16xi32>
    %add3A_711 = arith.addi %xor3A_705, %add3A_710 : vector<16xi32>
    %select_n3A_712 = arith.select %lt3A_708, %add3A_711, %xor3A_705 : vector<16xi1>, vector<16xi32>
    %broadcast_in_dim3A_713 = vector.shape_cast %select_n3A_712 : vector<16xi32> to vector<16x1xi32>
    %gather3A_714 = vector.shape_cast %broadcast_in_dim3A_713 : vector<16x1xi32> to vector<16xi32>
    %gather3A_715 = tpu.dynamic_gather %min3A_702[%gather3A_714] in [0] : vector<16xi32>, vector<16xi32> -> vector<16xi32>
    %min3A_716 = arith.minsi %min3A_702, %gather3A_715 : vector<16xi32>
    %eq3A_717 = arith.cmpi eq, %iota3A, %min3A_716 : vector<16xi32>
    %or3A_718 = arith.ori %or3A_597, %eq3A_717 : vector<16xi1>
    %jit3A_719 = arith.constant 0xFF800000 : f32
    %broadcast_in_dim3A_720 = vector.broadcast %jit3A_719 : f32 to vector<16xf32>
    %select_n3A_721 = arith.select %eq3A_717, %broadcast_in_dim3A_720, %select_n3A_600 : vector<16xi1>, vector<16xf32>
    %xor3A_722 = arith.constant 1 : i32
    %xor3A_723 = vector.broadcast %xor3A_722 : i32 to vector<16xi32>
    %xor3A_724 = arith.xori %iota3A, %xor3A_723 : vector<16xi32>
    %lt3A_725 = arith.constant 0 : i32
    %lt3A_726 = vector.broadcast %lt3A_725 : i32 to vector<16xi32>
    %lt3A_727 = arith.cmpi slt, %xor3A_724, %lt3A_726 : vector<16xi32>
    %add3A_728 = arith.constant 16 : i32
    %add3A_729 = vector.broadcast %add3A_728 : i32 to vector<16xi32>
    %add3A_730 = arith.addi %xor3A_724, %add3A_729 : vector<16xi32>
    %select_n3A_731 = arith.select %lt3A_727, %add3A_730, %xor3A_724 : vector<16xi1>, vector<16xi32>
    %broadcast_in_dim3A_732 = vector.shape_cast %select_n3A_731 : vector<16xi32> to vector<16x1xi32>
    %gather3A_733 = vector.shape_cast %broadcast_in_dim3A_732 : vector<16x1xi32> to vector<16xi32>
    %gather3A_734 = tpu.dynamic_gather %select_n3A_721[%gather3A_733] in [0] : vector<16xf32>, vector<16xi32> -> vector<16xf32>
    %max3A_735 = arith.maximumf %select_n3A_721, %gather3A_734 : vector<16xf32>
    %xor3A_736 = arith.constant 2 : i32
    %xor3A_737 = vector.broadcast %xor3A_736 : i32 to vector<16xi32>
    %xor3A_738 = arith.xori %iota3A, %xor3A_737 : vector<16xi32>
    %lt3A_739 = arith.constant 0 : i32
    %lt3A_740 = vector.broadcast %lt3A_739 : i32 to vector<16xi32>
    %lt3A_741 = arith.cmpi slt, %xor3A_738, %lt3A_740 : vector<16xi32>
    %add3A_742 = arith.constant 16 : i32
    %add3A_743 = vector.broadcast %add3A_742 : i32 to vector<16xi32>
    %add3A_744 = arith.addi %xor3A_738, %add3A_743 : vector<16xi32>
    %select_n3A_745 = arith.select %lt3A_741, %add3A_744, %xor3A_738 : vector<16xi1>, vector<16xi32>
    %broadcast_in_dim3A_746 = vector.shape_cast %select_n3A_745 : vector<16xi32> to vector<16x1xi32>
    %gather3A_747 = vector.shape_cast %broadcast_in_dim3A_746 : vector<16x1xi32> to vector<16xi32>
    %gather3A_748 = tpu.dynamic_gather %max3A_735[%gather3A_747] in [0] : vector<16xf32>, vector<16xi32> -> vector<16xf32>
    %max3A_749 = arith.maximumf %max3A_735, %gather3A_748 : vector<16xf32>
    %xor3A_750 = arith.constant 4 : i32
    %xor3A_751 = vector.broadcast %xor3A_750 : i32 to vector<16xi32>
    %xor3A_752 = arith.xori %iota3A, %xor3A_751 : vector<16xi32>
    %lt3A_753 = arith.constant 0 : i32
    %lt3A_754 = vector.broadcast %lt3A_753 : i32 to vector<16xi32>
    %lt3A_755 = arith.cmpi slt, %xor3A_752, %lt3A_754 : vector<16xi32>
    %add3A_756 = arith.constant 16 : i32
    %add3A_757 = vector.broadcast %add3A_756 : i32 to vector<16xi32>
    %add3A_758 = arith.addi %xor3A_752, %add3A_757 : vector<16xi32>
    %select_n3A_759 = arith.select %lt3A_755, %add3A_758, %xor3A_752 : vector<16xi1>, vector<16xi32>
    %broadcast_in_dim3A_760 = vector.shape_cast %select_n3A_759 : vector<16xi32> to vector<16x1xi32>
    %gather3A_761 = vector.shape_cast %broadcast_in_dim3A_760 : vector<16x1xi32> to vector<16xi32>
    %gather3A_762 = tpu.dynamic_gather %max3A_749[%gather3A_761] in [0] : vector<16xf32>, vector<16xi32> -> vector<16xf32>
    %max3A_763 = arith.maximumf %max3A_749, %gather3A_762 : vector<16xf32>
    %xor3A_764 = arith.constant 8 : i32
    %xor3A_765 = vector.broadcast %xor3A_764 : i32 to vector<16xi32>
    %xor3A_766 = arith.xori %iota3A, %xor3A_765 : vector<16xi32>
    %lt3A_767 = arith.constant 0 : i32
    %lt3A_768 = vector.broadcast %lt3A_767 : i32 to vector<16xi32>
    %lt3A_769 = arith.cmpi slt, %xor3A_766, %lt3A_768 : vector<16xi32>
    %add3A_770 = arith.constant 16 : i32
    %add3A_771 = vector.broadcast %add3A_770 : i32 to vector<16xi32>
    %add3A_772 = arith.addi %xor3A_766, %add3A_771 : vector<16xi32>
    %select_n3A_773 = arith.select %lt3A_769, %add3A_772, %xor3A_766 : vector<16xi1>, vector<16xi32>
    %broadcast_in_dim3A_774 = vector.shape_cast %select_n3A_773 : vector<16xi32> to vector<16x1xi32>
    %gather3A_775 = vector.shape_cast %broadcast_in_dim3A_774 : vector<16x1xi32> to vector<16xi32>
    %gather3A_776 = tpu.dynamic_gather %max3A_763[%gather3A_775] in [0] : vector<16xf32>, vector<16xi32> -> vector<16xf32>
    %max3A_777 = arith.maximumf %max3A_763, %gather3A_776 : vector<16xf32>
    %eq3A_778 = arith.cmpf oeq, %select_n3A_721, %max3A_777 : vector<16xf32>
    %jit3A_779 = arith.constant 16 : i32
    %broadcast_in_dim3A_780 = vector.broadcast %jit3A_779 : i32 to vector<16xi32>
    %select_n3A_781 = arith.select %eq3A_778, %iota3A, %broadcast_in_dim3A_780 : vector<16xi1>, vector<16xi32>
    %xor3A_782 = arith.constant 1 : i32
    %xor3A_783 = vector.broadcast %xor3A_782 : i32 to vector<16xi32>
    %xor3A_784 = arith.xori %iota3A, %xor3A_783 : vector<16xi32>
    %lt3A_785 = arith.constant 0 : i32
    %lt3A_786 = vector.broadcast %lt3A_785 : i32 to vector<16xi32>
    %lt3A_787 = arith.cmpi slt, %xor3A_784, %lt3A_786 : vector<16xi32>
    %add3A_788 = arith.constant 16 : i32
    %add3A_789 = vector.broadcast %add3A_788 : i32 to vector<16xi32>
    %add3A_790 = arith.addi %xor3A_784, %add3A_789 : vector<16xi32>
    %select_n3A_791 = arith.select %lt3A_787, %add3A_790, %xor3A_784 : vector<16xi1>, vector<16xi32>
    %broadcast_in_dim3A_792 = vector.shape_cast %select_n3A_791 : vector<16xi32> to vector<16x1xi32>
    %gather3A_793 = vector.shape_cast %broadcast_in_dim3A_792 : vector<16x1xi32> to vector<16xi32>
    %gather3A_794 = tpu.dynamic_gather %select_n3A_781[%gather3A_793] in [0] : vector<16xi32>, vector<16xi32> -> vector<16xi32>
    %min3A_795 = arith.minsi %select_n3A_781, %gather3A_794 : vector<16xi32>
    %xor3A_796 = arith.constant 2 : i32
    %xor3A_797 = vector.broadcast %xor3A_796 : i32 to vector<16xi32>
    %xor3A_798 = arith.xori %iota3A, %xor3A_797 : vector<16xi32>
    %lt3A_799 = arith.constant 0 : i32
    %lt3A_800 = vector.broadcast %lt3A_799 : i32 to vector<16xi32>
    %lt3A_801 = arith.cmpi slt, %xor3A_798, %lt3A_800 : vector<16xi32>
    %add3A_802 = arith.constant 16 : i32
    %add3A_803 = vector.broadcast %add3A_802 : i32 to vector<16xi32>
    %add3A_804 = arith.addi %xor3A_798, %add3A_803 : vector<16xi32>
    %select_n3A_805 = arith.select %lt3A_801, %add3A_804, %xor3A_798 : vector<16xi1>, vector<16xi32>
    %broadcast_in_dim3A_806 = vector.shape_cast %select_n3A_805 : vector<16xi32> to vector<16x1xi32>
    %gather3A_807 = vector.shape_cast %broadcast_in_dim3A_806 : vector<16x1xi32> to vector<16xi32>
    %gather3A_808 = tpu.dynamic_gather %min3A_795[%gather3A_807] in [0] : vector<16xi32>, vector<16xi32> -> vector<16xi32>
    %min3A_809 = arith.minsi %min3A_795, %gather3A_808 : vector<16xi32>
    %xor3A_810 = arith.constant 4 : i32
    %xor3A_811 = vector.broadcast %xor3A_810 : i32 to vector<16xi32>
    %xor3A_812 = arith.xori %iota3A, %xor3A_811 : vector<16xi32>
    %lt3A_813 = arith.constant 0 : i32
    %lt3A_814 = vector.broadcast %lt3A_813 : i32 to vector<16xi32>
    %lt3A_815 = arith.cmpi slt, %xor3A_812, %lt3A_814 : vector<16xi32>
    %add3A_816 = arith.constant 16 : i32
    %add3A_817 = vector.broadcast %add3A_816 : i32 to vector<16xi32>
    %add3A_818 = arith.addi %xor3A_812, %add3A_817 : vector<16xi32>
    %select_n3A_819 = arith.select %lt3A_815, %add3A_818, %xor3A_812 : vector<16xi1>, vector<16xi32>
    %broadcast_in_dim3A_820 = vector.shape_cast %select_n3A_819 : vector<16xi32> to vector<16x1xi32>
    %gather3A_821 = vector.shape_cast %broadcast_in_dim3A_820 : vector<16x1xi32> to vector<16xi32>
    %gather3A_822 = tpu.dynamic_gather %min3A_809[%gather3A_821] in [0] : vector<16xi32>, vector<16xi32> -> vector<16xi32>
    %min3A_823 = arith.minsi %min3A_809, %gather3A_822 : vector<16xi32>
    %xor3A_824 = arith.constant 8 : i32
    %xor3A_825 = vector.broadcast %xor3A_824 : i32 to vector<16xi32>
    %xor3A_826 = arith.xori %iota3A, %xor3A_825 : vector<16xi32>
    %lt3A_827 = arith.constant 0 : i32
    %lt3A_828 = vector.broadcast %lt3A_827 : i32 to vector<16xi32>
    %lt3A_829 = arith.cmpi slt, %xor3A_826, %lt3A_828 : vector<16xi32>
    %add3A_830 = arith.constant 16 : i32
    %add3A_831 = vector.broadcast %add3A_830 : i32 to vector<16xi32>
    %add3A_832 = arith.addi %xor3A_826, %add3A_831 : vector<16xi32>
    %select_n3A_833 = arith.select %lt3A_829, %add3A_832, %xor3A_826 : vector<16xi1>, vector<16xi32>
    %broadcast_in_dim3A_834 = vector.shape_cast %select_n3A_833 : vector<16xi32> to vector<16x1xi32>
    %gather3A_835 = vector.shape_cast %broadcast_in_dim3A_834 : vector<16x1xi32> to vector<16xi32>
    %gather3A_836 = tpu.dynamic_gather %min3A_823[%gather3A_835] in [0] : vector<16xi32>, vector<16xi32> -> vector<16xi32>
    %min3A_837 = arith.minsi %min3A_823, %gather3A_836 : vector<16xi32>
    %eq3A_838 = arith.cmpi eq, %iota3A, %min3A_837 : vector<16xi32>
    %or3A_839 = arith.ori %or3A_718, %eq3A_838 : vector<16xi1>
    %jit3A_840 = arith.constant 0xFF800000 : f32
    %broadcast_in_dim3A_841 = vector.broadcast %jit3A_840 : f32 to vector<16xf32>
    %select_n3A_842 = arith.select %eq3A_838, %broadcast_in_dim3A_841, %select_n3A_721 : vector<16xi1>, vector<16xf32>
    %xor3A_843 = arith.constant 1 : i32
    %xor3A_844 = vector.broadcast %xor3A_843 : i32 to vector<16xi32>
    %xor3A_845 = arith.xori %iota3A, %xor3A_844 : vector<16xi32>
    %lt3A_846 = arith.constant 0 : i32
    %lt3A_847 = vector.broadcast %lt3A_846 : i32 to vector<16xi32>
    %lt3A_848 = arith.cmpi slt, %xor3A_845, %lt3A_847 : vector<16xi32>
    %add3A_849 = arith.constant 16 : i32
    %add3A_850 = vector.broadcast %add3A_849 : i32 to vector<16xi32>
    %add3A_851 = arith.addi %xor3A_845, %add3A_850 : vector<16xi32>
    %select_n3A_852 = arith.select %lt3A_848, %add3A_851, %xor3A_845 : vector<16xi1>, vector<16xi32>
    %broadcast_in_dim3A_853 = vector.shape_cast %select_n3A_852 : vector<16xi32> to vector<16x1xi32>
    %gather3A_854 = vector.shape_cast %broadcast_in_dim3A_853 : vector<16x1xi32> to vector<16xi32>
    %gather3A_855 = tpu.dynamic_gather %select_n3A_842[%gather3A_854] in [0] : vector<16xf32>, vector<16xi32> -> vector<16xf32>
    %max3A_856 = arith.maximumf %select_n3A_842, %gather3A_855 : vector<16xf32>
    %xor3A_857 = arith.constant 2 : i32
    %xor3A_858 = vector.broadcast %xor3A_857 : i32 to vector<16xi32>
    %xor3A_859 = arith.xori %iota3A, %xor3A_858 : vector<16xi32>
    %lt3A_860 = arith.constant 0 : i32
    %lt3A_861 = vector.broadcast %lt3A_860 : i32 to vector<16xi32>
    %lt3A_862 = arith.cmpi slt, %xor3A_859, %lt3A_861 : vector<16xi32>
    %add3A_863 = arith.constant 16 : i32
    %add3A_864 = vector.broadcast %add3A_863 : i32 to vector<16xi32>
    %add3A_865 = arith.addi %xor3A_859, %add3A_864 : vector<16xi32>
    %select_n3A_866 = arith.select %lt3A_862, %add3A_865, %xor3A_859 : vector<16xi1>, vector<16xi32>
    %broadcast_in_dim3A_867 = vector.shape_cast %select_n3A_866 : vector<16xi32> to vector<16x1xi32>
    %gather3A_868 = vector.shape_cast %broadcast_in_dim3A_867 : vector<16x1xi32> to vector<16xi32>
    %gather3A_869 = tpu.dynamic_gather %max3A_856[%gather3A_868] in [0] : vector<16xf32>, vector<16xi32> -> vector<16xf32>
    %max3A_870 = arith.maximumf %max3A_856, %gather3A_869 : vector<16xf32>
    %xor3A_871 = arith.constant 4 : i32
    %xor3A_872 = vector.broadcast %xor3A_871 : i32 to vector<16xi32>
    %xor3A_873 = arith.xori %iota3A, %xor3A_872 : vector<16xi32>
    %lt3A_874 = arith.constant 0 : i32
    %lt3A_875 = vector.broadcast %lt3A_874 : i32 to vector<16xi32>
    %lt3A_876 = arith.cmpi slt, %xor3A_873, %lt3A_875 : vector<16xi32>
    %add3A_877 = arith.constant 16 : i32
    %add3A_878 = vector.broadcast %add3A_877 : i32 to vector<16xi32>
    %add3A_879 = arith.addi %xor3A_873, %add3A_878 : vector<16xi32>
    %select_n3A_880 = arith.select %lt3A_876, %add3A_879, %xor3A_873 : vector<16xi1>, vector<16xi32>
    %broadcast_in_dim3A_881 = vector.shape_cast %select_n3A_880 : vector<16xi32> to vector<16x1xi32>
    %gather3A_882 = vector.shape_cast %broadcast_in_dim3A_881 : vector<16x1xi32> to vector<16xi32>
    %gather3A_883 = tpu.dynamic_gather %max3A_870[%gather3A_882] in [0] : vector<16xf32>, vector<16xi32> -> vector<16xf32>
    %max3A_884 = arith.maximumf %max3A_870, %gather3A_883 : vector<16xf32>
    %xor3A_885 = arith.constant 8 : i32
    %xor3A_886 = vector.broadcast %xor3A_885 : i32 to vector<16xi32>
    %xor3A_887 = arith.xori %iota3A, %xor3A_886 : vector<16xi32>
    %lt3A_888 = arith.constant 0 : i32
    %lt3A_889 = vector.broadcast %lt3A_888 : i32 to vector<16xi32>
    %lt3A_890 = arith.cmpi slt, %xor3A_887, %lt3A_889 : vector<16xi32>
    %add3A_891 = arith.constant 16 : i32
    %add3A_892 = vector.broadcast %add3A_891 : i32 to vector<16xi32>
    %add3A_893 = arith.addi %xor3A_887, %add3A_892 : vector<16xi32>
    %select_n3A_894 = arith.select %lt3A_890, %add3A_893, %xor3A_887 : vector<16xi1>, vector<16xi32>
    %broadcast_in_dim3A_895 = vector.shape_cast %select_n3A_894 : vector<16xi32> to vector<16x1xi32>
    %gather3A_896 = vector.shape_cast %broadcast_in_dim3A_895 : vector<16x1xi32> to vector<16xi32>
    %gather3A_897 = tpu.dynamic_gather %max3A_884[%gather3A_896] in [0] : vector<16xf32>, vector<16xi32> -> vector<16xf32>
    %max3A_898 = arith.maximumf %max3A_884, %gather3A_897 : vector<16xf32>
    %eq3A_899 = arith.cmpf oeq, %select_n3A_842, %max3A_898 : vector<16xf32>
    %jit3A_900 = arith.constant 16 : i32
    %broadcast_in_dim3A_901 = vector.broadcast %jit3A_900 : i32 to vector<16xi32>
    %select_n3A_902 = arith.select %eq3A_899, %iota3A, %broadcast_in_dim3A_901 : vector<16xi1>, vector<16xi32>
    %xor3A_903 = arith.constant 1 : i32
    %xor3A_904 = vector.broadcast %xor3A_903 : i32 to vector<16xi32>
    %xor3A_905 = arith.xori %iota3A, %xor3A_904 : vector<16xi32>
    %lt3A_906 = arith.constant 0 : i32
    %lt3A_907 = vector.broadcast %lt3A_906 : i32 to vector<16xi32>
    %lt3A_908 = arith.cmpi slt, %xor3A_905, %lt3A_907 : vector<16xi32>
    %add3A_909 = arith.constant 16 : i32
    %add3A_910 = vector.broadcast %add3A_909 : i32 to vector<16xi32>
    %add3A_911 = arith.addi %xor3A_905, %add3A_910 : vector<16xi32>
    %select_n3A_912 = arith.select %lt3A_908, %add3A_911, %xor3A_905 : vector<16xi1>, vector<16xi32>
    %broadcast_in_dim3A_913 = vector.shape_cast %select_n3A_912 : vector<16xi32> to vector<16x1xi32>
    %gather3A_914 = vector.shape_cast %broadcast_in_dim3A_913 : vector<16x1xi32> to vector<16xi32>
    %gather3A_915 = tpu.dynamic_gather %select_n3A_902[%gather3A_914] in [0] : vector<16xi32>, vector<16xi32> -> vector<16xi32>
    %min3A_916 = arith.minsi %select_n3A_902, %gather3A_915 : vector<16xi32>
    %xor3A_917 = arith.constant 2 : i32
    %xor3A_918 = vector.broadcast %xor3A_917 : i32 to vector<16xi32>
    %xor3A_919 = arith.xori %iota3A, %xor3A_918 : vector<16xi32>
    %lt3A_920 = arith.constant 0 : i32
    %lt3A_921 = vector.broadcast %lt3A_920 : i32 to vector<16xi32>
    %lt3A_922 = arith.cmpi slt, %xor3A_919, %lt3A_921 : vector<16xi32>
    %add3A_923 = arith.constant 16 : i32
    %add3A_924 = vector.broadcast %add3A_923 : i32 to vector<16xi32>
    %add3A_925 = arith.addi %xor3A_919, %add3A_924 : vector<16xi32>
    %select_n3A_926 = arith.select %lt3A_922, %add3A_925, %xor3A_919 : vector<16xi1>, vector<16xi32>
    %broadcast_in_dim3A_927 = vector.shape_cast %select_n3A_926 : vector<16xi32> to vector<16x1xi32>
    %gather3A_928 = vector.shape_cast %broadcast_in_dim3A_927 : vector<16x1xi32> to vector<16xi32>
    %gather3A_929 = tpu.dynamic_gather %min3A_916[%gather3A_928] in [0] : vector<16xi32>, vector<16xi32> -> vector<16xi32>
    %min3A_930 = arith.minsi %min3A_916, %gather3A_929 : vector<16xi32>
    %xor3A_931 = arith.constant 4 : i32
    %xor3A_932 = vector.broadcast %xor3A_931 : i32 to vector<16xi32>
    %xor3A_933 = arith.xori %iota3A, %xor3A_932 : vector<16xi32>
    %lt3A_934 = arith.constant 0 : i32
    %lt3A_935 = vector.broadcast %lt3A_934 : i32 to vector<16xi32>
    %lt3A_936 = arith.cmpi slt, %xor3A_933, %lt3A_935 : vector<16xi32>
    %add3A_937 = arith.constant 16 : i32
    %add3A_938 = vector.broadcast %add3A_937 : i32 to vector<16xi32>
    %add3A_939 = arith.addi %xor3A_933, %add3A_938 : vector<16xi32>
    %select_n3A_940 = arith.select %lt3A_936, %add3A_939, %xor3A_933 : vector<16xi1>, vector<16xi32>
    %broadcast_in_dim3A_941 = vector.shape_cast %select_n3A_940 : vector<16xi32> to vector<16x1xi32>
    %gather3A_942 = vector.shape_cast %broadcast_in_dim3A_941 : vector<16x1xi32> to vector<16xi32>
    %gather3A_943 = tpu.dynamic_gather %min3A_930[%gather3A_942] in [0] : vector<16xi32>, vector<16xi32> -> vector<16xi32>
    %min3A_944 = arith.minsi %min3A_930, %gather3A_943 : vector<16xi32>
    %xor3A_945 = arith.constant 8 : i32
    %xor3A_946 = vector.broadcast %xor3A_945 : i32 to vector<16xi32>
    %xor3A_947 = arith.xori %iota3A, %xor3A_946 : vector<16xi32>
    %lt3A_948 = arith.constant 0 : i32
    %lt3A_949 = vector.broadcast %lt3A_948 : i32 to vector<16xi32>
    %lt3A_950 = arith.cmpi slt, %xor3A_947, %lt3A_949 : vector<16xi32>
    %add3A_951 = arith.constant 16 : i32
    %add3A_952 = vector.broadcast %add3A_951 : i32 to vector<16xi32>
    %add3A_953 = arith.addi %xor3A_947, %add3A_952 : vector<16xi32>
    %select_n3A_954 = arith.select %lt3A_950, %add3A_953, %xor3A_947 : vector<16xi1>, vector<16xi32>
    %broadcast_in_dim3A_955 = vector.shape_cast %select_n3A_954 : vector<16xi32> to vector<16x1xi32>
    %gather3A_956 = vector.shape_cast %broadcast_in_dim3A_955 : vector<16x1xi32> to vector<16xi32>
    %gather3A_957 = tpu.dynamic_gather %min3A_944[%gather3A_956] in [0] : vector<16xi32>, vector<16xi32> -> vector<16xi32>
    %min3A_958 = arith.minsi %min3A_944, %gather3A_957 : vector<16xi32>
    %eq3A_959 = arith.cmpi eq, %iota3A, %min3A_958 : vector<16xi32>
    %or3A_960 = arith.ori %or3A_839, %eq3A_959 : vector<16xi1>
    %jit3A_961 = arith.constant 0xFF800000 : f32
    %broadcast_in_dim3A_962 = vector.broadcast %jit3A_961 : f32 to vector<16xf32>
    %select_n3A_963 = arith.select %eq3A_959, %broadcast_in_dim3A_962, %select_n3A_842 : vector<16xi1>, vector<16xf32>
    %xor3A_964 = arith.constant 1 : i32
    %xor3A_965 = vector.broadcast %xor3A_964 : i32 to vector<16xi32>
    %xor3A_966 = arith.xori %iota3A, %xor3A_965 : vector<16xi32>
    %lt3A_967 = arith.constant 0 : i32
    %lt3A_968 = vector.broadcast %lt3A_967 : i32 to vector<16xi32>
    %lt3A_969 = arith.cmpi slt, %xor3A_966, %lt3A_968 : vector<16xi32>
    %add3A_970 = arith.constant 16 : i32
    %add3A_971 = vector.broadcast %add3A_970 : i32 to vector<16xi32>
    %add3A_972 = arith.addi %xor3A_966, %add3A_971 : vector<16xi32>
    %select_n3A_973 = arith.select %lt3A_969, %add3A_972, %xor3A_966 : vector<16xi1>, vector<16xi32>
    %broadcast_in_dim3A_974 = vector.shape_cast %select_n3A_973 : vector<16xi32> to vector<16x1xi32>
    %gather3A_975 = vector.shape_cast %broadcast_in_dim3A_974 : vector<16x1xi32> to vector<16xi32>
    %gather3A_976 = tpu.dynamic_gather %get3A_2[%gather3A_975] in [0] : vector<16xf32>, vector<16xi32> -> vector<16xf32>
    %max3A_977 = arith.maximumf %get3A_2, %gather3A_976 : vector<16xf32>
    %xor3A_978 = arith.constant 2 : i32
    %xor3A_979 = vector.broadcast %xor3A_978 : i32 to vector<16xi32>
    %xor3A_980 = arith.xori %iota3A, %xor3A_979 : vector<16xi32>
    %lt3A_981 = arith.constant 0 : i32
    %lt3A_982 = vector.broadcast %lt3A_981 : i32 to vector<16xi32>
    %lt3A_983 = arith.cmpi slt, %xor3A_980, %lt3A_982 : vector<16xi32>
    %add3A_984 = arith.constant 16 : i32
    %add3A_985 = vector.broadcast %add3A_984 : i32 to vector<16xi32>
    %add3A_986 = arith.addi %xor3A_980, %add3A_985 : vector<16xi32>
    %select_n3A_987 = arith.select %lt3A_983, %add3A_986, %xor3A_980 : vector<16xi1>, vector<16xi32>
    %broadcast_in_dim3A_988 = vector.shape_cast %select_n3A_987 : vector<16xi32> to vector<16x1xi32>
    %gather3A_989 = vector.shape_cast %broadcast_in_dim3A_988 : vector<16x1xi32> to vector<16xi32>
    %gather3A_990 = tpu.dynamic_gather %max3A_977[%gather3A_989] in [0] : vector<16xf32>, vector<16xi32> -> vector<16xf32>
    %max3A_991 = arith.maximumf %max3A_977, %gather3A_990 : vector<16xf32>
    %xor3A_992 = arith.constant 4 : i32
    %xor3A_993 = vector.broadcast %xor3A_992 : i32 to vector<16xi32>
    %xor3A_994 = arith.xori %iota3A, %xor3A_993 : vector<16xi32>
    %lt3A_995 = arith.constant 0 : i32
    %lt3A_996 = vector.broadcast %lt3A_995 : i32 to vector<16xi32>
    %lt3A_997 = arith.cmpi slt, %xor3A_994, %lt3A_996 : vector<16xi32>
    %add3A_998 = arith.constant 16 : i32
    %add3A_999 = vector.broadcast %add3A_998 : i32 to vector<16xi32>
    %add3A_1000 = arith.addi %xor3A_994, %add3A_999 : vector<16xi32>
    %select_n3A_1001 = arith.select %lt3A_997, %add3A_1000, %xor3A_994 : vector<16xi1>, vector<16xi32>
    %broadcast_in_dim3A_1002 = vector.shape_cast %select_n3A_1001 : vector<16xi32> to vector<16x1xi32>
    %gather3A_1003 = vector.shape_cast %broadcast_in_dim3A_1002 : vector<16x1xi32> to vector<16xi32>
    %gather3A_1004 = tpu.dynamic_gather %max3A_991[%gather3A_1003] in [0] : vector<16xf32>, vector<16xi32> -> vector<16xf32>
    %max3A_1005 = arith.maximumf %max3A_991, %gather3A_1004 : vector<16xf32>
    %xor3A_1006 = arith.constant 8 : i32
    %xor3A_1007 = vector.broadcast %xor3A_1006 : i32 to vector<16xi32>
    %xor3A_1008 = arith.xori %iota3A, %xor3A_1007 : vector<16xi32>
    %lt3A_1009 = arith.constant 0 : i32
    %lt3A_1010 = vector.broadcast %lt3A_1009 : i32 to vector<16xi32>
    %lt3A_1011 = arith.cmpi slt, %xor3A_1008, %lt3A_1010 : vector<16xi32>
    %add3A_1012 = arith.constant 16 : i32
    %add3A_1013 = vector.broadcast %add3A_1012 : i32 to vector<16xi32>
    %add3A_1014 = arith.addi %xor3A_1008, %add3A_1013 : vector<16xi32>
    %select_n3A_1015 = arith.select %lt3A_1011, %add3A_1014, %xor3A_1008 : vector<16xi1>, vector<16xi32>
    %broadcast_in_dim3A_1016 = vector.shape_cast %select_n3A_1015 : vector<16xi32> to vector<16x1xi32>
    %gather3A_1017 = vector.shape_cast %broadcast_in_dim3A_1016 : vector<16x1xi32> to vector<16xi32>
    %gather3A_1018 = tpu.dynamic_gather %max3A_1005[%gather3A_1017] in [0] : vector<16xf32>, vector<16xi32> -> vector<16xf32>
    %max3A_1019 = arith.maximumf %max3A_1005, %gather3A_1018 : vector<16xf32>
    %sub3A = arith.subf %get3A_2, %max3A_1019 : vector<16xf32>
    %exp3A = math.exp %sub3A : vector<16xf32>
    %jit3A_1020 = arith.constant 0.000000e+00 : f32
    %broadcast_in_dim3A_1021 = vector.broadcast %jit3A_1020 : f32 to vector<16xf32>
    %select_n3A_1022 = arith.select %or3A_960, %exp3A, %broadcast_in_dim3A_1021 : vector<16xi1>, vector<16xf32>
    %xor3A_1023 = arith.constant 1 : i32
    %xor3A_1024 = vector.broadcast %xor3A_1023 : i32 to vector<16xi32>
    %xor3A_1025 = arith.xori %iota3A, %xor3A_1024 : vector<16xi32>
    %lt3A_1026 = arith.constant 0 : i32
    %lt3A_1027 = vector.broadcast %lt3A_1026 : i32 to vector<16xi32>
    %lt3A_1028 = arith.cmpi slt, %xor3A_1025, %lt3A_1027 : vector<16xi32>
    %add3A_1029 = arith.constant 16 : i32
    %add3A_1030 = vector.broadcast %add3A_1029 : i32 to vector<16xi32>
    %add3A_1031 = arith.addi %xor3A_1025, %add3A_1030 : vector<16xi32>
    %select_n3A_1032 = arith.select %lt3A_1028, %add3A_1031, %xor3A_1025 : vector<16xi1>, vector<16xi32>
    %broadcast_in_dim3A_1033 = vector.shape_cast %select_n3A_1032 : vector<16xi32> to vector<16x1xi32>
    %gather3A_1034 = vector.shape_cast %broadcast_in_dim3A_1033 : vector<16x1xi32> to vector<16xi32>
    %gather3A_1035 = tpu.dynamic_gather %select_n3A_1022[%gather3A_1034] in [0] : vector<16xf32>, vector<16xi32> -> vector<16xf32>
    %add3A_1036 = arith.addf %select_n3A_1022, %gather3A_1035 : vector<16xf32>
    %xor3A_1037 = arith.constant 2 : i32
    %xor3A_1038 = vector.broadcast %xor3A_1037 : i32 to vector<16xi32>
    %xor3A_1039 = arith.xori %iota3A, %xor3A_1038 : vector<16xi32>
    %lt3A_1040 = arith.constant 0 : i32
    %lt3A_1041 = vector.broadcast %lt3A_1040 : i32 to vector<16xi32>
    %lt3A_1042 = arith.cmpi slt, %xor3A_1039, %lt3A_1041 : vector<16xi32>
    %add3A_1043 = arith.constant 16 : i32
    %add3A_1044 = vector.broadcast %add3A_1043 : i32 to vector<16xi32>
    %add3A_1045 = arith.addi %xor3A_1039, %add3A_1044 : vector<16xi32>
    %select_n3A_1046 = arith.select %lt3A_1042, %add3A_1045, %xor3A_1039 : vector<16xi1>, vector<16xi32>
    %broadcast_in_dim3A_1047 = vector.shape_cast %select_n3A_1046 : vector<16xi32> to vector<16x1xi32>
    %gather3A_1048 = vector.shape_cast %broadcast_in_dim3A_1047 : vector<16x1xi32> to vector<16xi32>
    %gather3A_1049 = tpu.dynamic_gather %add3A_1036[%gather3A_1048] in [0] : vector<16xf32>, vector<16xi32> -> vector<16xf32>
    %add3A_1050 = arith.addf %add3A_1036, %gather3A_1049 : vector<16xf32>
    %xor3A_1051 = arith.constant 4 : i32
    %xor3A_1052 = vector.broadcast %xor3A_1051 : i32 to vector<16xi32>
    %xor3A_1053 = arith.xori %iota3A, %xor3A_1052 : vector<16xi32>
    %lt3A_1054 = arith.constant 0 : i32
    %lt3A_1055 = vector.broadcast %lt3A_1054 : i32 to vector<16xi32>
    %lt3A_1056 = arith.cmpi slt, %xor3A_1053, %lt3A_1055 : vector<16xi32>
    %add3A_1057 = arith.constant 16 : i32
    %add3A_1058 = vector.broadcast %add3A_1057 : i32 to vector<16xi32>
    %add3A_1059 = arith.addi %xor3A_1053, %add3A_1058 : vector<16xi32>
    %select_n3A_1060 = arith.select %lt3A_1056, %add3A_1059, %xor3A_1053 : vector<16xi1>, vector<16xi32>
    %broadcast_in_dim3A_1061 = vector.shape_cast %select_n3A_1060 : vector<16xi32> to vector<16x1xi32>
    %gather3A_1062 = vector.shape_cast %broadcast_in_dim3A_1061 : vector<16x1xi32> to vector<16xi32>
    %gather3A_1063 = tpu.dynamic_gather %add3A_1050[%gather3A_1062] in [0] : vector<16xf32>, vector<16xi32> -> vector<16xf32>
    %add3A_1064 = arith.addf %add3A_1050, %gather3A_1063 : vector<16xf32>
    %xor3A_1065 = arith.constant 8 : i32
    %xor3A_1066 = vector.broadcast %xor3A_1065 : i32 to vector<16xi32>
    %xor3A_1067 = arith.xori %iota3A, %xor3A_1066 : vector<16xi32>
    %lt3A_1068 = arith.constant 0 : i32
    %lt3A_1069 = vector.broadcast %lt3A_1068 : i32 to vector<16xi32>
    %lt3A_1070 = arith.cmpi slt, %xor3A_1067, %lt3A_1069 : vector<16xi32>
    %add3A_1071 = arith.constant 16 : i32
    %add3A_1072 = vector.broadcast %add3A_1071 : i32 to vector<16xi32>
    %add3A_1073 = arith.addi %xor3A_1067, %add3A_1072 : vector<16xi32>
    %select_n3A_1074 = arith.select %lt3A_1070, %add3A_1073, %xor3A_1067 : vector<16xi1>, vector<16xi32>
    %broadcast_in_dim3A_1075 = vector.shape_cast %select_n3A_1074 : vector<16xi32> to vector<16x1xi32>
    %gather3A_1076 = vector.shape_cast %broadcast_in_dim3A_1075 : vector<16x1xi32> to vector<16xi32>
    %gather3A_1077 = tpu.dynamic_gather %add3A_1064[%gather3A_1076] in [0] : vector<16xf32>, vector<16xi32> -> vector<16xf32>
    %add3A_1078 = arith.addf %add3A_1064, %gather3A_1077 : vector<16xf32>
    %div3A = arith.divf %select_n3A_1022, %add3A_1078 : vector<16xf32>
    %swap3A = arith.constant 0 : index
    %swap3A_1079 = tpu.vector_load %arg5[%swap3A] {strides = array<i32>} : memref<16xf32, #tpu.memory_space<vmem>>, vector<16xf32>,
    %swap3A_1080 = vector.shape_cast %swap3A_1079 : vector<16xf32> to vector<16xf32>
    %swap3A_1081 = vector.shape_cast %div3A : vector<16xf32> to vector<16xf32>
    tpu.vector_store %arg5[%swap3A], %swap3A_1081 {strides = array<i32>} : memref<16xf32, #tpu.memory_space<vmem>>, vector<16xf32>,
    "tpu.region"() ({
      %run_scoped3A = tpu.sem_alloc : memref<!tpu.dma_semaphore, #tpu.memory_space<semaphore_mem>>
      %dma_start3A = arith.constant 0 : i32
      %dma_start3A_1082 = tpu.memref_slice %arg3[%add3A, %dma_start3A] : memref<32x16xf32, #tpu.memory_space<hbm>> -> memref<1x16xf32, #tpu.memory_space<hbm>>
      %dma_start3A_1083 = tpu.memref_squeeze %dma_start3A_1082 : memref<1x16xf32, #tpu.memory_space<hbm>> -> memref<16xf32, #tpu.memory_space<hbm>>
      %dma_start3A_1084 = arith.constant 0 : i32
      %dma_start3A_1085 = tpu.memref_slice %arg3[%add3A, %dma_start3A_1084] : memref<32x16xf32, #tpu.memory_space<hbm>> -> memref<1x16xf32, #tpu.memory_space<hbm>>
      %dma_start3A_1086 = tpu.memref_squeeze %dma_start3A_1085 : memref<1x16xf32, #tpu.memory_space<hbm>> -> memref<16xf32, #tpu.memory_space<hbm>>
      tpu.enqueue_dma source(%arg5 : memref<16xf32, #tpu.memory_space<vmem>>) target(%dma_start3A_1086 : memref<16xf32, #tpu.memory_space<hbm>>) target_semaphore(%run_scoped3A : memref<!tpu.dma_semaphore, #tpu.memory_space<semaphore_mem>>)
      %dma_wait3A = arith.constant 0 : i32
      %dma_wait3A_1087 = tpu.memref_slice %arg3[%add3A, %dma_wait3A] : memref<32x16xf32, #tpu.memory_space<hbm>> -> memref<1x16xf32, #tpu.memory_space<hbm>>
      %dma_wait3A_1088 = tpu.memref_squeeze %dma_wait3A_1087 : memref<1x16xf32, #tpu.memory_space<hbm>> -> memref<16xf32, #tpu.memory_space<hbm>>
      %dma_wait3A_1089 = arith.constant 0 : i32
      %dma_wait3A_1090 = tpu.memref_slice %arg3[%add3A, %dma_wait3A_1089] : memref<32x16xf32, #tpu.memory_space<hbm>> -> memref<1x16xf32, #tpu.memory_space<hbm>>
      %dma_wait3A_1091 = tpu.memref_squeeze %dma_wait3A_1090 : memref<1x16xf32, #tpu.memory_space<hbm>> -> memref<16xf32, #tpu.memory_space<hbm>>
      tpu.wait_dma2 semaphore(%run_scoped3A : memref<!tpu.dma_semaphore, #tpu.memory_space<semaphore_mem>>) src(%arg5 : memref<16xf32, #tpu.memory_space<vmem>>) dst(%dma_wait3A_1091 : memref<16xf32, #tpu.memory_space<hbm>>)
      tpu.yield
    }) : () -> ()
    return
  }
}

</mosaic_0001>

<sc_bundles>
// kernel: _route_sc.3.cloned.1.call-start
scs
__scs_entry_jumppad:
0x0: {  	(pc) =	sbr.rel $0x88, $3  }
0x1: {  	(tag) =	ssettag $0x0;
	lr =	simm.s32 $0x1  }
0x2: {  	[smem:$0x3FA0] =	sst lr;
	_ =	strace $0xD0000000  }
0x3: {  	_ = 	snop  }
0x4: {  	_ = 	snop  }
0x5: {  	_ = 	snop  }
0x6: {  	_ = 	snop  }
0x7: {  	_ = 	snop  }
__scs_overlays_trampoline_lowered:
0x8: {  	[smem:$0x3FAF] =	sst s0  }
0x9: {  	[smem:$0x3FB0] =	sst s1  }
0xa: {  	[smem:$0x3FB1] =	sst s2  }
0xb: {  	[smem:$0x3FB2] =	sst s3  }
0xc: {  	[smem:$0x3FB3] =	sst s4  }
0xd: {  	[smem:$0x3FB4] =	sst s5  }
0xe: {  	[smem:$0x3FB5] =	sst s6  }
0xf: {  	[smem:$0x3FB6] =	sst s7  }
0x10: {  	[smem:$0x3FB7] =	sst s8  }
0x11: {  	[smem:$0x3FB8] =	sst s9;
	s0 =	simm.s32 @!p0 $0x0  }
0x12: {  	s1 =	sld [smem:$0x3F9E];
	s0 =	simm.s32 @p0 $0x1  }
0x13: {  	[smem:$0x3FB9] =	sst s0;
	s0 =	simm.s32 @!p1 $0x0  }
0x14: {  	s2 =	sld [smem:$0x3F9D];
	s0 =	simm.s32 @p1 $0x1  }
0x15: {  	[smem:$0x3FBA] =	sst s0;
	s0 =	simm.s32 @!p2 $0x0  }
0x16: {  	s3 =	sld [smem:$0x3FDB];
	s0 =	simm.s32 @p2 $0x1  }
0x17: {  	s4 =	simm.s32 $0x1BF5;
	[smem:$0x3FBC] =	sst s0  }
0x18: {  	s0 =	sld [smem:$0x3F9F];
	_ =	swait.ge [sflag:s4], $0x0  }
0x19: {  	s7 =	sld [smem:$0x3FA0]  }
0x1a: {  	s8 =	sadd.s32 $0xFFFFE003, lr  }
0x1b: {  	s9 =	sadd.s32 $0xFFFFFEF7, lr;
	s5 =	simm.s32 $0xFFFFFFFF;
	p2 =	slt.u32 s8, $0xFFFFF086  }
0x1c: {  	p1 =	slt.u32 s9, $0xF7A;
	s5 =	simm.s32 @!p2 $0x0  }
0x1d: {  	s5 =	simm.s32 @p1 $0x1;
	p0 =	seq.s32 s7, s2  }
0x1e: {  	s7 =	smul.u32 @!p0 $0xF7A, s2;
	p2 =	seq.s32 @!p0 s5, $0x0  }
0x1f: {  	s9 =	smul.u32 $0xF7A, s1;
	s8 =	simm.s32 @!p0 $0x1BF5;
	p2 =	por !p2, p0  }
0x20: {  	[sflag:s8] =	ssyncset.s32 @!p0 $0xFFFFF086;
	s6 =	sadd.s32 @!p0 s3, s7;
	s7 =	simm.s32 @!p0 $0x108  }
0x21: {  	s3 =	sadd.s32 s3, s9;
	s6 =	sadd.s32 @!p0 $0x88, s6;
	s7 =	simm.s32 @p2 $0x1082  }
0x22: {  	[simem:s7], [sflag:s8] =	dma.local @!p0 [hbm:s6], $0xF7A  }
0x23: {  	s9 =	sor.u32 $0xD0000000, s2;
	s6 =	simm.s32 $0x108;
	_ =	swait.ge @!p0 [sflag:s8], $0x0  }
0x24: {  	s3 =	sadd.s32 $0x88, s3;
	s6 =	simm.s32 @!p1 $0x1082;
	[sflag:s4] =	ssyncset.s32 $0xFFFFF086  }
0x25: {  	[simem:s6], [sflag:s4] =	dma.local [hbm:s3], $0xF7A  }
0x26: {  	[smem:$0x3FA0] =	sst s1;
	(tag) =	ssettag s2;
	_ =	strace s9  }
0x27: {  	s1 =	sld [smem:$0x3FB0]  }
0x28: {  	s2 =	sld [smem:$0x3FB1]  }
0x29: {  	s4 =	sld [smem:$0x3FB3]  }
0x2a: {  	p0 =	seq.s32 s5, $0x0;
	s5 =	sld [smem:$0x3FB4]  }
0x2b: {  	s6 =	sld [smem:$0x3FB5]  }
0x2c: {  	s7 =	sld [smem:$0x3FB6]  }
0x2d: {  	s3 =	simm.s32 $0x108;
	s8 =	sld [smem:$0x3FB7]  }
0x2e: {  	s3 =	simm.s32 @!p0 $0x1082;
	s9 =	sld [smem:$0x3FB8]  }
0x2f: {  	lr =	sadd.s32 s0, s3;
	s0 =	sld [smem:$0x3FAF]  }
0x30: {  	s3 =	sld [smem:$0x3FB2]  }
0x31: {  	[smem:$0x3FBB] =	sst s10  }
0x32: {  	s10 =	sld [smem:$0x3FB9];
	_ =	sdelay $0x3  }
0x33: {  	p0 =	seq.s32 s10, $0x1;
	s10 =	sld [smem:$0x3FBB];
	_ =	sdelay $0x3  }
0x34: {  	[smem:$0x3FBB] =	sst s10  }
0x35: {  	s10 =	sld [smem:$0x3FBA];
	_ =	sdelay $0x3  }
0x36: {  	p1 =	seq.s32 s10, $0x1;
	s10 =	sld [smem:$0x3FBB];
	_ =	sdelay $0x3  }
0x37: {  	[smem:$0x3FBB] =	sst s10  }
0x38: {  	s10 =	sld [smem:$0x3FBC]  }
0x39: {  	_ = 	snop;
	(pc) =	sbr.ind lr, $3  }
0x3a: {  	_ = 	snop  }
0x3b: {  	_ = 	snop  }
0x3c: {  	p2 =	seq.s32 s10, $0x1;
	s10 =	sld [smem:$0x3FBB]  }
0x3d: {  	_ =	shalt  }
0x3e: {  	_ =	shalt  }
0x3f: {  	_ =	shalt  }
0x40: {  	_ =	shalt  }
0x41: {  	_ =	shalt  }
0x42: {  	_ =	shalt  }
0x43: {  	_ =	shalt  }
0x44: {  	_ =	shalt  }
0x45: {  	_ =	shalt  }
0x46: {  	_ =	shalt  }
0x47: {  	_ =	shalt  }
0x48: {  	_ =	shalt  }
0x49: {  	_ =	shalt  }
0x4a: {  	_ =	shalt  }
0x4b: {  	_ =	shalt  }
0x4c: {  	_ =	shalt  }
0x4d: {  	_ =	shalt  }
0x4e: {  	_ =	shalt  }
0x4f: {  	_ =	shalt  }
0x50: {  	_ =	shalt  }
0x51: {  	_ =	shalt  }
0x52: {  	_ =	shalt  }
0x53: {  	_ =	shalt  }
0x54: {  	_ =	shalt  }
0x55: {  	_ =	shalt  }
0x56: {  	_ =	shalt  }
0x57: {  	_ =	shalt  }
0x58: {  	_ =	shalt  }
0x59: {  	_ =	shalt  }
0x5a: {  	_ =	shalt  }
0x5b: {  	_ =	shalt  }
0x5c: {  	_ =	shalt  }
0x5d: {  	_ =	shalt  }
0x5e: {  	_ =	shalt  }
0x5f: {  	_ =	shalt  }
0x60: {  	_ =	shalt  }
0x61: {  	_ =	shalt  }
0x62: {  	_ =	shalt  }
0x63: {  	_ =	shalt  }
0x64: {  	_ =	shalt  }
0x65: {  	_ =	shalt  }
0x66: {  	_ =	shalt  }
0x67: {  	_ =	shalt  }
0x68: {  	_ =	shalt  }
0x69: {  	_ =	shalt  }
0x6a: {  	_ =	shalt  }
0x6b: {  	_ =	shalt  }
0x6c: {  	_ =	shalt  }
0x6d: {  	_ =	shalt  }
0x6e: {  	_ =	shalt  }
0x6f: {  	_ =	shalt  }
0x70: {  	_ =	shalt  }
0x71: {  	_ =	shalt  }
0x72: {  	_ =	shalt  }
0x73: {  	_ =	shalt  }
0x74: {  	_ =	shalt  }
0x75: {  	_ =	shalt  }
0x76: {  	_ =	shalt  }
0x77: {  	_ =	shalt  }
0x78: {  	_ =	shalt  }
0x79: {  	_ =	shalt  }
0x7a: {  	_ =	shalt  }
0x7b: {  	_ =	shalt  }
0x7c: {  	_ =	shalt  }
0x7d: {  	_ =	shalt  }
0x7e: {  	_ =	shalt  }
0x7f: {  	_ =	shalt  }
0x80: {  	_ =	shalt  }
0x81: {  	_ =	shalt  }
0x82: {  	_ =	shalt  }
0x83: {  	_ =	shalt  }
0x84: {  	_ =	shalt  }
0x85: {  	_ =	shalt  }
0x86: {  	_ =	shalt  }
0x87: {  	_ =	shalt  }
.Lfunc_end0:
.L_simem_size_0:
called_computation_lowered:
.L_overlay_start_0:
0x88: {  	s2 =	sld [smem:$0x3FD9]  }
0x89: {  	s3 =	sld [smem:$0x3FFE];
	_ =	sdelay $0x1  }
0x8a: {  	s1 =	srdreg.scid  }
0x8b: {  	s0 =	sand.u32 $0x1, s1  }
0x8c: {  	s16 =	sshll.u32 s0, $0xA;
	s2 =	sadd.s32 s3, s2  }
0x8d: {  	s2 =	sadd.s32 s2, s16  }
0x8e: {  	[smem:$0x3FC7] =	sst s2  }
0x8f: {  	_ = 	snop  }
0x90: {  	(tm) =	ssettm $0x1  }
0x91: {  	s17 =	sld [smem:$0x3FFB];
	_ =	sdelay $0x3  }
0x92: {  	_ =	strace s17  }
0x93: {  	s2 =	sld [smem:$0x3FFC];
	_ =	sdelay $0x3  }
0x94: {  	_ =	strace s2  }
0x95: {  	s2 =	sld [smem:$0x3FFD];
	_ =	sdelay $0x3  }
0x96: {  	_ =	strace s2  }
0x97: {  	_ =	strace $0x8FFFFFFF  }
0x98: {  	s18 =	sld [smem:$0x3FDB];
	_ =	sdelay $0x1  }
0x99: {  	s19 =	simm.s32 $_scs_section_size  }
0x9a: {  	s4 =	simm.s32 $_size__tile_overlayer_lowered;
	s5 =	simm.s32 $_tile_overlayer_lowered  }
0x9b: {  	s22 =	simm.s32 $0x1BFF;
	s21 =	sshll.u32 s5, $0x1;
	s2 =	sadd.s32 s19, s18  }
0x9c: {  	s6 =	simm.s32 $0x0;
	s20 =	sshll.u32 s4, $0x1;
	s4 =	sadd.s32 s21, s2  }
0x9d: {  	[timem:s6], [sflag:s22] =	dma.local [hbm:s4], s20  }
0x9e: {  	_ =	swait.ge [sflag:s22], s20  }
0x9f: {  	s3 =	ssub.s32 $0x0, s20;
	[sflag:s22] =	ssyncset.done $0x0  }
0xa0: {  	[sflag:s22] =	ssyncadd.s32 s3;
	_ =	sdelay $0x1  }
0xa1: {  	s23 =	simm.s32 $0x1B8B  }
0xa2: {  	_ =	swait.ge [sflag:s23], $0x1  }
0xa3: {  	[sflag:s23] =	ssyncset.done $0x0  }
0xa4: {  	s25 =	simm.s32 $0x1B8E;
	s24 =	sld [smem:$0x3FFE];
	[sflag:s23] =	ssyncadd.s32 $0xFFFFFFFF  }
0xa5: {  	s26 =	simm.s32 $execute0_lowered;
	[smem:$0x3FD2] =	sst s25  }
0xa6: {  	s4 =	sshll.u32 s26, $0x1;
	_ =	strace $0x80000046;
	[dreg:$0x1] =	wrdreg $0xFFFFFFFF  }
0xa7: {  	s28 =	simm.s32 $_size_execute0_lowered;
	s2 =	sadd.s32 s2, s4;
	[dreg:$0x0] =	wrdreg $0x0  }
0xa8: {  	s4 =	sshll.u32 s28, $0x1;
	[dreg:$0x2] =	wrdreg s2  }
0xa9: {  	[dreg:$0x3] =	wrdreg s4  }
0xaa: {  	[dreg:$0x4] =	wrdreg $0xC0  }
0xab: {  	_ =	task [dreg:s6], $0x5FFFF  }
0xac: {  	[dreg:$0x1] =	wrdreg $0xFFFFFFFF  }
0xad: {  	[dreg:$0x0] =	wrdreg $0x60  }
0xae: {  	[dreg:$0x2] =	wrdreg s24  }
0xaf: {  	[dreg:$0x3] =	wrdreg $0x9  }
0xb0: {  	_ =	task.clear_ibuf [dreg:s6], $0x4FFFF;
	_ =	strace $0x90000046  }
0xb1: {  	s29 =	simm.s32 $0x9;
	_ =	strace $0x80000048  }
0xb2: {  	_ =	swait.ge [sflag:s29], $0x1  }
0xb3: {  	[sflag:s29] =	ssyncadd.s32 $0xFFFFFFFF  }
0xb4: {  	_ =	strace $0x90000048  }
0xb5: {  	_ =	sfence  }
0xb6: {  	s30 =	sld [smem:$0x0];
	_ =	sdelay $0x2  }
0xb7: {  	s31 =	sshll.u32 s1, $0xD;
	s1 =	sshrl.u32 s1, $0x2  }
0xb8: {  	s3 =	sand.u32 $0x4000, s31;
	s1 =	sadd.s32 s1, s30  }
0xb9: {  	s0 =	sor.u32 s3, s0;
	s1 =	sshll.u32 s1, $0x11  }
0xba: {  	s0 =	sor.u32 s1, s0  }
0xbb: {  	s0 =	sadd.s32 $0x8F2B, s0  }
0xbc: {  	[sflag:s0] =	ssyncadd.remote.s32 $0x1  }
0xbd: {  	_ =	sfence.sel $0xFFFF  }
0xbe: {  	[dreg:$0x0] =	wrdreg $0xFFFFFFFF;
	(pc) =	sbr.abs _section_cstart, $3  }
0xbf: {  	[dreg:$0x1] =	wrdreg $0xFFFFFFFF  }
0xc0: {  	_ =	task.clear_ibuf [dreg:s6], $0x2FFFF;
	_ =	strace $0x9FFFFFFF  }
0xc1: {  	(tm) =	ssettm $0x7FFFFFFF  }
tec
execute0_lowered:
.L_overlay_start_1:
0x0: {  	(tag) =	ssettag $0x1  }
0x1: {  	s1 =	srdreg.scid  }
0x2: {  	s0 =	stileid.u32;
	s5 =	sand.u32 $0x1, s1  }
0x3: {  	s3 =	rddreg [dreg:$0x0];
	s4 =	sshll.u32 s0, $0x5;
	s6 =	sshll.u32 s5, $0x4  }
0x4: {  	s2 =	simm.s32 $0x0;
	s1 =	rddreg [dreg:$0x1];
	s4 =	sor.u32 s6, s4  }
0x5: {  	[smem:$0x7FF] =	sst s2;
	s6 =	sadd.s32 s4, s3  }
0x6: {  	_ =	strace $0x80000047;
	s3 =	simm.s32 $0x1;
	s4 =	sadd.s32 $0x400, s6  }
0x7: {  	[tilespmem:s2], [sflag:$0x1] =	stream.linear.gather [hbm4b:s4+s2], $0x80, $0x38;
	[tilespmem:$0x100] =	vst v63  }
0x8: {  	v0 =	vimm.s32 $0xEFCDAB89;
	v1 =	vimm.s32 $0x67452301;
	v2 =	vimm.s32 $0xDCFE98BA;
	_ =	swait.ge [sflag:s3], $0x80  }
0x9: {  	v3 =	vimm.s32 $0x54761032;
	v0 =	vunpack.c.l.s4.s8 v0;
	v1 =	vunpack.c.l.s4.s8 v1;
	[sflag:s3] =	ssyncset.done $0x0  }
0xa: {  	v2 =	vunpack.c.l.s4.s8 v2;
	v3 =	vunpack.c.l.s4.s8 v3;
	[sflag:s3] =	ssyncadd.s32 $0xFFFFFF80  }
0xb: {  	v0 =	vunpack.c.0.s8.s32 v0;
	v1 =	vunpack.c.0.s8.s32 v1;
	v5 =	vld [tilespmem:$0x0]  }
0xc: {  	v2 =	vunpack.c.0.s8.s32 v2;
	v3 =	vunpack.c.0.s8.s32 v3  }
0xd: {  	v0 =	vcombine.low v1, v0  }
0xe: {  	v1 =	vcombine.low v3, v2;
	v2 =	vimm.s32 $0xBA98FEDC;
	v3 =	vimm.s32 $0x32107654  }
0xf: {  	v2 =	vunpack.c.l.s4.s8 v2;
	v3 =	vunpack.c.l.s4.s8 v3;
	v0 =	vand.u32 $0xF, v0  }
0x10: {  	v6 =	vimm.s32 $0xFEDCBA98;
	v4 =	vperm.xlane v5, v0  }
0x11: {  	v7 =	vimm.s32 $0x76543210;
	v2 =	vunpack.c.0.s8.s32 v2;
	v3 =	vunpack.c.0.s8.s32 v3  }
0x12: {  	v6 =	vunpack.c.l.s4.s8 v6;
	v1 =	vand.u32 $0xF, v1;
	v4 =	vmax.f32 v5, v4  }
0x13: {  	v2 =	vcombine.low v3, v2;
	v3 =	vunpack.c.l.s4.s8 v7;
	v7 =	vperm.xlane v4, v1  }
0x14: {  	v6 =	vunpack.c.0.s8.s32 v6  }
0x15: {  	v2 =	vand.u32 $0xF, v2;
	v3 =	vunpack.c.0.s8.s32 v3;
	v4 =	vmax.f32 v4, v7  }
0x16: {  	v6 =	vand.u32 $0xF, v6;
	v7 =	vperm.xlane v4, v2  }
0x17: {  	v3 =	vcombine.low v6, v3  }
0x18: {  	v4 =	vmax.f32 v4, v7  }
0x19: {  	v6 =	vperm.xlane v4, v3;
	_ =	sdelay $0x1  }
0x1a: {  	v6 =	vmax.f32 v4, v6  }
0x1b: {  	v4 =	vlaneseq.u32;
	vm0 =	veq.f32 v5, v6  }
0x1c: {  	v7 =	vnsel vm0, $0x10, v4  }
0x1d: {  	v8 =	vperm.xlane v7, v0;
	_ =	sdelay $0x1  }
0x1e: {  	vm0 =	vlt.s32 v7, v8  }
0x1f: {  	v7 =	vsel vm0, v7, v8  }
0x20: {  	v8 =	vperm.xlane v7, v1;
	_ =	sdelay $0x1  }
0x21: {  	vm0 =	vlt.s32 v7, v8  }
0x22: {  	v7 =	vsel vm0, v7, v8  }
0x23: {  	v8 =	vperm.xlane v7, v2;
	_ =	sdelay $0x1  }
0x24: {  	vm0 =	vlt.s32 v7, v8  }
0x25: {  	v7 =	vsel vm0, v7, v8  }
0x26: {  	v8 =	vperm.xlane v7, v3;
	_ =	sdelay $0x1  }
0x27: {  	vm0 =	vlt.s32 v7, v8  }
0x28: {  	v7 =	vsel vm0, v7, v8  }
0x29: {  	vm0 =	veq.s32 v7, v4  }
0x2a: {  	v7 =	vsel vm0, $0xFF800000, v5  }
0x2b: {  	v44 =	vperm.xlane v7, v0;
	_ =	sdelay $0x1  }
0x2c: {  	v8 =	vmax.f32 v7, v44  }
0x2d: {  	v9 =	vperm.xlane v8, v1;
	_ =	sdelay $0x1  }
0x2e: {  	v8 =	vmax.f32 v8, v9  }
0x2f: {  	v9 =	vperm.xlane v8, v2;
	_ =	sdelay $0x1  }
0x30: {  	v8 =	vmax.f32 v8, v9  }
0x31: {  	v9 =	vperm.xlane v8, v3;
	_ =	sdelay $0x1  }
0x32: {  	v8 =	vmax.f32 v8, v9  }
0x33: {  	vm1 =	veq.f32 v7, v8  }
0x34: {  	v8 =	vnsel vm1, $0x10, v4  }
0x35: {  	v45 =	vperm.xlane v8, v0;
	_ =	sdelay $0x1  }
0x36: {  	vm1 =	vlt.s32 v8, v45  }
0x37: {  	v8 =	vsel vm1, v8, v45  }
0x38: {  	v9 =	vperm.xlane v8, v1;
	_ =	sdelay $0x1  }
0x39: {  	vm1 =	vlt.s32 v8, v9  }
0x3a: {  	v8 =	vsel vm1, v8, v9  }
0x3b: {  	v9 =	vperm.xlane v8, v2;
	_ =	sdelay $0x1  }
0x3c: {  	vm1 =	vlt.s32 v8, v9  }
0x3d: {  	v8 =	vsel vm1, v8, v9  }
0x3e: {  	v9 =	vperm.xlane v8, v3;
	_ =	sdelay $0x1  }
0x3f: {  	vm1 =	vlt.s32 v8, v9  }
0x40: {  	v8 =	vsel vm1, v8, v9  }
0x41: {  	vm1 =	veq.s32 v8, v4  }
0x42: {  	v7 =	vsel vm1, $0xFF800000, v7  }
0x43: {  	v46 =	vperm.xlane v7, v0;
	_ =	sdelay $0x1  }
0x44: {  	v8 =	vmax.f32 v7, v46  }
0x45: {  	v47 =	vperm.xlane v8, v1;
	_ =	sdelay $0x1  }
0x46: {  	v8 =	vmax.f32 v8, v47  }
0x47: {  	v9 =	vperm.xlane v8, v2;
	_ =	sdelay $0x1  }
0x48: {  	v8 =	vmax.f32 v8, v9  }
0x49: {  	v9 =	vperm.xlane v8, v3;
	_ =	sdelay $0x1  }
0x4a: {  	v8 =	vmax.f32 v8, v9  }
0x4b: {  	vm2 =	veq.f32 v7, v8  }
0x4c: {  	v8 =	vnsel vm2, $0x10, v4  }
0x4d: {  	v48 =	vperm.xlane v8, v0;
	_ =	sdelay $0x1  }
0x4e: {  	vm2 =	vlt.s32 v8, v48  }
0x4f: {  	v8 =	vsel vm2, v8, v48  }
0x50: {  	v9 =	vperm.xlane v8, v1;
	_ =	sdelay $0x1  }
0x51: {  	vm2 =	vlt.s32 v8, v9  }
0x52: {  	v8 =	vsel vm2, v8, v9  }
0x53: {  	v9 =	vperm.xlane v8, v2;
	_ =	sdelay $0x1  }
0x54: {  	vm2 =	vlt.s32 v8, v9  }
0x55: {  	v8 =	vsel vm2, v8, v9  }
0x56: {  	v9 =	vperm.xlane v8, v3;
	_ =	sdelay $0x1  }
0x57: {  	vm2 =	vlt.s32 v8, v9  }
0x58: {  	v8 =	vsel vm2, v8, v9  }
0x59: {  	vm2 =	veq.s32 v8, v4  }
0x5a: {  	v7 =	vsel vm2, $0xFF800000, v7  }
0x5b: {  	v49 =	vperm.xlane v7, v0;
	_ =	sdelay $0x1  }
0x5c: {  	v8 =	vmax.f32 v7, v49  }
0x5d: {  	v50 =	vperm.xlane v8, v1;
	_ =	sdelay $0x1  }
0x5e: {  	v8 =	vmax.f32 v8, v50  }
0x5f: {  	v9 =	vperm.xlane v8, v2;
	_ =	sdelay $0x1  }
0x60: {  	v8 =	vmax.f32 v8, v9  }
0x61: {  	v9 =	vperm.xlane v8, v3;
	_ =	sdelay $0x1  }
0x62: {  	v8 =	vmax.f32 v8, v9  }
0x63: {  	vm3 =	veq.f32 v7, v8  }
0x64: {  	v8 =	vnsel vm3, $0x10, v4  }
0x65: {  	v51 =	vperm.xlane v8, v0;
	_ =	sdelay $0x1  }
0x66: {  	vm3 =	vlt.s32 v8, v51  }
0x67: {  	v8 =	vsel vm3, v8, v51  }
0x68: {  	v9 =	vperm.xlane v8, v1;
	_ =	sdelay $0x1  }
0x69: {  	vm3 =	vlt.s32 v8, v9  }
0x6a: {  	v8 =	vsel vm3, v8, v9  }
0x6b: {  	v9 =	vperm.xlane v8, v2;
	_ =	sdelay $0x1  }
0x6c: {  	vm3 =	vlt.s32 v8, v9  }
0x6d: {  	v8 =	vsel vm3, v8, v9  }
0x6e: {  	v9 =	vperm.xlane v8, v3;
	_ =	sdelay $0x1  }
0x6f: {  	vm3 =	vlt.s32 v8, v9  }
0x70: {  	v8 =	vsel vm3, v8, v9  }
0x71: {  	vm3 =	veq.s32 v8, v4  }
0x72: {  	v7 =	vsel vm3, $0xFF800000, v7  }
0x73: {  	v52 =	vperm.xlane v7, v0;
	_ =	sdelay $0x1  }
0x74: {  	v8 =	vmax.f32 v7, v52  }
0x75: {  	v53 =	vperm.xlane v8, v1;
	_ =	sdelay $0x1  }
0x76: {  	v8 =	vmax.f32 v8, v53  }
0x77: {  	v9 =	vperm.xlane v8, v2;
	_ =	sdelay $0x1  }
0x78: {  	v8 =	vmax.f32 v8, v9  }
0x79: {  	v9 =	vperm.xlane v8, v3;
	_ =	sdelay $0x1  }
0x7a: {  	v8 =	vmax.f32 v8, v9  }
0x7b: {  	vm4 =	veq.f32 v7, v8  }
0x7c: {  	v8 =	vnsel vm4, $0x10, v4  }
0x7d: {  	v54 =	vperm.xlane v8, v0;
	_ =	sdelay $0x1  }
0x7e: {  	vm4 =	vlt.s32 v8, v54  }
0x7f: {  	v8 =	vsel vm4, v8, v54  }
0x80: {  	v9 =	vperm.xlane v8, v1;
	_ =	sdelay $0x1  }
0x81: {  	vm4 =	vlt.s32 v8, v9  }
0x82: {  	v8 =	vsel vm4, v8, v9  }
0x83: {  	v9 =	vperm.xlane v8, v2;
	_ =	sdelay $0x1  }
0x84: {  	vm4 =	vlt.s32 v8, v9  }
0x85: {  	v8 =	vsel vm4, v8, v9  }
0x86: {  	v9 =	vperm.xlane v8, v3;
	_ =	sdelay $0x1  }
0x87: {  	vm4 =	vlt.s32 v8, v9  }
0x88: {  	v8 =	vsel vm4, v8, v9  }
0x89: {  	vm4 =	veq.s32 v8, v4  }
0x8a: {  	v7 =	vsel vm4, $0xFF800000, v7  }
0x8b: {  	v55 =	vperm.xlane v7, v0;
	_ =	sdelay $0x1  }
0x8c: {  	v8 =	vmax.f32 v7, v55  }
0x8d: {  	v56 =	vperm.xlane v8, v1;
	_ =	sdelay $0x1  }
0x8e: {  	v8 =	vmax.f32 v8, v56  }
0x8f: {  	v9 =	vperm.xlane v8, v2;
	_ =	sdelay $0x1  }
0x90: {  	v8 =	vmax.f32 v8, v9  }
0x91: {  	v9 =	vperm.xlane v8, v3;
	_ =	sdelay $0x1  }
0x92: {  	v8 =	vmax.f32 v8, v9  }
0x93: {  	vm5 =	veq.f32 v7, v8  }
0x94: {  	v8 =	vnsel vm5, $0x10, v4  }
0x95: {  	v57 =	vperm.xlane v8, v0;
	_ =	sdelay $0x1  }
0x96: {  	vm5 =	vlt.s32 v8, v57  }
0x97: {  	v8 =	vsel vm5, v8, v57  }
0x98: {  	v9 =	vperm.xlane v8, v1;
	_ =	sdelay $0x1  }
0x99: {  	vm5 =	vlt.s32 v8, v9  }
0x9a: {  	v8 =	vsel vm5, v8, v9  }
0x9b: {  	v9 =	vperm.xlane v8, v2;
	_ =	sdelay $0x1  }
0x9c: {  	vm5 =	vlt.s32 v8, v9  }
0x9d: {  	v8 =	vsel vm5, v8, v9  }
0x9e: {  	v9 =	vperm.xlane v8, v3;
	_ =	sdelay $0x1  }
0x9f: {  	vm5 =	vlt.s32 v8, v9  }
0xa0: {  	v8 =	vsel vm5, v8, v9  }
0xa1: {  	vm5 =	veq.s32 v8, v4  }
0xa2: {  	v7 =	vsel vm5, $0xFF800000, v7  }
0xa3: {  	v58 =	vperm.xlane v7, v0;
	_ =	sdelay $0x1  }
0xa4: {  	v8 =	vmax.f32 v7, v58  }
0xa5: {  	v59 =	vperm.xlane v8, v1;
	_ =	sdelay $0x1  }
0xa6: {  	v8 =	vmax.f32 v8, v59  }
0xa7: {  	v9 =	vperm.xlane v8, v2;
	_ =	sdelay $0x1  }
0xa8: {  	v8 =	vmax.f32 v8, v9  }
0xa9: {  	v9 =	vperm.xlane v8, v3;
	_ =	sdelay $0x1  }
0xaa: {  	v8 =	vmax.f32 v8, v9  }
0xab: {  	vm6 =	veq.f32 v7, v8  }
0xac: {  	v8 =	vnsel vm6, $0x10, v4  }
0xad: {  	v60 =	vperm.xlane v8, v0;
	_ =	sdelay $0x1  }
0xae: {  	vm6 =	vlt.s32 v8, v60  }
0xaf: {  	v8 =	vsel vm6, v8, v60  }
0xb0: {  	v9 =	vperm.xlane v8, v1;
	_ =	sdelay $0x1  }
0xb1: {  	vm6 =	vlt.s32 v8, v9  }
0xb2: {  	v8 =	vsel vm6, v8, v9  }
0xb3: {  	v9 =	vperm.xlane v8, v2;
	_ =	sdelay $0x1  }
0xb4: {  	vm6 =	vlt.s32 v8, v9  }
0xb5: {  	v8 =	vsel vm6, v8, v9  }
0xb6: {  	v9 =	vperm.xlane v8, v3;
	_ =	sdelay $0x1  }
0xb7: {  	vm6 =	vlt.s32 v8, v9  }
0xb8: {  	v8 =	vsel vm6, v8, v9  }
0xb9: {  	vm6 =	veq.s32 v8, v4  }
0xba: {  	v7 =	vsel vm6, $0xFF800000, v7  }
0xbb: {  	v61 =	vperm.xlane v7, v0;
	_ =	sdelay $0x1  }
0xbc: {  	v8 =	vmax.f32 v7, v61  }
0xbd: {  	v62 =	vperm.xlane v8, v1;
	_ =	sdelay $0x1  }
0xbe: {  	v8 =	vmax.f32 v8, v62  }
0xbf: {  	v9 =	vperm.xlane v8, v2;
	_ =	sdelay $0x1  }
0xc0: {  	v8 =	vmax.f32 v8, v9  }
0xc1: {  	v9 =	vperm.xlane v8, v3;
	_ =	sdelay $0x1  }
0xc2: {  	v8 =	vmax.f32 v8, v9  }
0xc3: {  	vm7 =	veq.f32 v7, v8  }
0xc4: {  	v7 =	vnsel vm7, $0x10, v4  }
0xc5: {  	v63 =	vperm.xlane v7, v0;
	_ =	sdelay $0x1  }
0xc6: {  	vm7 =	vlt.s32 v7, v63  }
0xc7: {  	v7 =	vsel vm7, v7, v63  }
0xc8: {  	v8 =	vperm.xlane v7, v1;
	_ =	sdelay $0x1  }
0xc9: {  	vm7 =	vlt.s32 v7, v8  }
0xca: {  	v7 =	vsel vm7, v7, v8  }
0xcb: {  	v8 =	vperm.xlane v7, v2;
	_ =	sdelay $0x1  }
0xcc: {  	v5 =	vsub.f32 v5, v6;
	vm7 =	vlt.s32 v7, v8  }
0xcd: {  	v6 =	vsel vm7, v7, v8  }
0xce: {  	v5 =	vmul.f32 $1.442695020e+00, v5;
	v7 =	vperm.xlane v6, v3;
	_ =	sdelay $0x1  }
0xcf: {  	(erf) = vpow2.f32 v5;
	vm7 =	vlt.s32 v6, v7  }
0xd0: {  	v5 =	vsel vm7, v6, v7  }
0xd1: {  	vm7 =	veq.s32 v5, v4  }
0xd2: {  	vm1 =	vmor vm1, vm7  }
0xd3: {  	vm0 =	vmor vm0, vm1  }
0xd4: {  	vm0 =	vmor vm2, vm0  }
0xd5: {  	vm0 =	vmor vm3, vm0  }
0xd6: {  	vm0 =	vmor vm4, vm0  }
0xd7: {  	vm0 =	vmor vm5, vm0  }
0xd8: {  	v5 =	vpop (erf);
	vm0 =	vmor vm6, vm0  }
0xd9: {  	v5 =	vnsel vm0, $0x0, v5  }
0xda: {  	v6 =	vperm.xlane v5, v0;
	_ =	sdelay $0x1  }
0xdb: {  	v6 =	vadd.f32 v5, v6;
	_ =	sdelay $0x1  }
0xdc: {  	v7 =	vperm.xlane v6, v1;
	_ =	sdelay $0x1  }
0xdd: {  	v6 =	vadd.f32 v6, v7;
	_ =	sdelay $0x1  }
0xde: {  	v7 =	vperm.xlane v6, v2;
	_ =	sdelay $0x1  }
0xdf: {  	v6 =	vadd.f32 v6, v7;
	_ =	sdelay $0x1  }
0xe0: {  	v7 =	vperm.xlane v6, v3;
	_ =	sdelay $0x1  }
0xe1: {  	v6 =	vadd.f32 v6, v7;
	_ =	sdelay $0x1  }
0xe2: {  	(erf) = vrcp.f32 v6;
	_ =	sdelay $0x5  }
0xe3: {  	s5 =	ssub.s32 $0x2, s5  }
0xe4: {  	s7 =	sshrl.u32 s5, $0x1  }
0xe5: {  	s7 =	ssub.s32 s5, s7  }
0xe6: {  	s7 =	smax.u32 s7, $0x1;
	v6 =	vpop (erf)  }
0xe7: {  	p0 =	sne.s32 s7, $0x1;
	v5 =	vmul.f32 v6, v5  }
.Ltmp0:
0xe8: {  	_ = 	snop;
	(pc) =	sbr.rel @!p0 .LBB2_2-.Ltmp0, $4  }
0xe9: {  	s5 =	sadd.s32 $0x600, s6;
	s6 =	simm.s32 $0x80;
	[tilespmem:$0x80] =	vst v5  }
0xea: {  	[hbm4b:s5+s2] =	stream.linear.scatter [tilespmem:s6], [sflag:$0x1], $0x80, $0x38;
	[tilespmem:$0x100] =	vst v63  }
0xeb: {  	_ =	swait.ge [sflag:s3], $0x80  }
0xec: {  	s7 =	sadd.s32 $0xFFFFFFFF, s7;
	[sflag:s3] =	ssyncset.done $0x0  }
.LBB2_1:
0xed: {  	p0 =	sne.s32 s7, $0x1;
	s7 =	sadd.s32 $0xFFFFFFFF, s7;
	[sflag:s3] =	ssyncadd.s32 $0xFFFFFF80  }
0xee: {  	[tilespmem:s2], [sflag:$0x1] =	stream.linear.gather [hbm4b:s4+s2], $0x80, $0x38;
	[tilespmem:$0x100] =	vst v63  }
0xef: {  	_ =	swait.ge [sflag:s3], $0x80  }
0xf0: {  	[sflag:s3] =	ssyncset.done $0x0  }
0xf1: {  	[sflag:s3] =	ssyncadd.s32 $0xFFFFFF80  }
0xf2: {  	v6 =	vld [tilespmem:$0x0];
	_ =	sdelay $0x4  }
0xf3: {  	v5 =	vperm.xlane v6, v0;
	_ =	sdelay $0x1  }
0xf4: {  	v5 =	vmax.f32 v6, v5  }
0xf5: {  	v7 =	vperm.xlane v5, v1;
	_ =	sdelay $0x1  }
0xf6: {  	v5 =	vmax.f32 v5, v7  }
0xf7: {  	v7 =	vperm.xlane v5, v2;
	_ =	sdelay $0x1  }
0xf8: {  	v5 =	vmax.f32 v5, v7  }
0xf9: {  	v7 =	vperm.xlane v5, v3;
	_ =	sdelay $0x1  }
0xfa: {  	v5 =	vmax.f32 v5, v7  }
0xfb: {  	vm0 =	veq.f32 v6, v5;
	v5 =	vsub.f32 v6, v5  }
0xfc: {  	v7 =	vnsel vm0, $0x10, v4  }
0xfd: {  	v8 =	vperm.xlane v7, v0;
	v5 =	vmul.f32 $1.442695020e+00, v5;
	_ =	sdelay $0x1  }
0xfe: {  	vm0 =	vlt.s32 v7, v8  }
0xff: {  	v7 =	vsel vm0, v7, v8  }
0x100: {  	v8 =	vperm.xlane v7, v1;
	_ =	sdelay $0x1  }
0x101: {  	vm0 =	vlt.s32 v7, v8  }
0x102: {  	v7 =	vsel vm0, v7, v8  }
0x103: {  	v8 =	vperm.xlane v7, v2;
	_ =	sdelay $0x1  }
0x104: {  	vm0 =	vlt.s32 v7, v8  }
0x105: {  	v7 =	vsel vm0, v7, v8  }
0x106: {  	v8 =	vperm.xlane v7, v3;
	_ =	sdelay $0x1  }
0x107: {  	vm0 =	vlt.s32 v7, v8  }
0x108: {  	v7 =	vsel vm0, v7, v8  }
0x109: {  	vm0 =	veq.s32 v7, v4  }
0x10a: {  	v6 =	vsel vm0, $0xFF800000, v6  }
0x10b: {  	v7 =	vperm.xlane v6, v0;
	_ =	sdelay $0x1  }
0x10c: {  	v7 =	vmax.f32 v6, v7  }
0x10d: {  	v8 =	vperm.xlane v7, v1;
	_ =	sdelay $0x1  }
0x10e: {  	v7 =	vmax.f32 v7, v8  }
0x10f: {  	v8 =	vperm.xlane v7, v2;
	_ =	sdelay $0x1  }
0x110: {  	v7 =	vmax.f32 v7, v8  }
0x111: {  	v8 =	vperm.xlane v7, v3;
	_ =	sdelay $0x1  }
0x112: {  	v7 =	vmax.f32 v7, v8  }
0x113: {  	vm1 =	veq.f32 v6, v7  }
0x114: {  	v7 =	vnsel vm1, $0x10, v4  }
0x115: {  	v8 =	vperm.xlane v7, v0;
	_ =	sdelay $0x1  }
0x116: {  	vm1 =	vlt.s32 v7, v8  }
0x117: {  	v7 =	vsel vm1, v7, v8  }
0x118: {  	v8 =	vperm.xlane v7, v1;
	_ =	sdelay $0x1  }
0x119: {  	vm1 =	vlt.s32 v7, v8  }
0x11a: {  	v7 =	vsel vm1, v7, v8  }
0x11b: {  	v8 =	vperm.xlane v7, v2;
	_ =	sdelay $0x1  }
0x11c: {  	vm1 =	vlt.s32 v7, v8  }
0x11d: {  	v7 =	vsel vm1, v7, v8  }
0x11e: {  	v8 =	vperm.xlane v7, v3;
	_ =	sdelay $0x1  }
0x11f: {  	vm1 =	vlt.s32 v7, v8  }
0x120: {  	v7 =	vsel vm1, v7, v8  }
0x121: {  	vm1 =	veq.s32 v7, v4  }
0x122: {  	v6 =	vsel vm1, $0xFF800000, v6  }
0x123: {  	v7 =	vperm.xlane v6, v0;
	_ =	sdelay $0x1  }
0x124: {  	v7 =	vmax.f32 v6, v7  }
0x125: {  	v8 =	vperm.xlane v7, v1;
	_ =	sdelay $0x1  }
0x126: {  	v7 =	vmax.f32 v7, v8  }
0x127: {  	v8 =	vperm.xlane v7, v2;
	_ =	sdelay $0x1  }
0x128: {  	v7 =	vmax.f32 v7, v8  }
0x129: {  	v8 =	vperm.xlane v7, v3;
	_ =	sdelay $0x1  }
0x12a: {  	v7 =	vmax.f32 v7, v8  }
0x12b: {  	vm2 =	veq.f32 v6, v7  }
0x12c: {  	v7 =	vnsel vm2, $0x10, v4  }
0x12d: {  	v8 =	vperm.xlane v7, v0;
	_ =	sdelay $0x1  }
0x12e: {  	vm2 =	vlt.s32 v7, v8  }
0x12f: {  	v7 =	vsel vm2, v7, v8  }
0x130: {  	v8 =	vperm.xlane v7, v1;
	_ =	sdelay $0x1  }
0x131: {  	vm2 =	vlt.s32 v7, v8  }
0x132: {  	v7 =	vsel vm2, v7, v8  }
0x133: {  	v8 =	vperm.xlane v7, v2;
	_ =	sdelay $0x1  }
0x134: {  	vm2 =	vlt.s32 v7, v8  }
0x135: {  	v7 =	vsel vm2, v7, v8  }
0x136: {  	v8 =	vperm.xlane v7, v3;
	_ =	sdelay $0x1  }
0x137: {  	vm2 =	vlt.s32 v7, v8  }
0x138: {  	v7 =	vsel vm2, v7, v8  }
0x139: {  	vm2 =	veq.s32 v7, v4  }
0x13a: {  	v6 =	vsel vm2, $0xFF800000, v6  }
0x13b: {  	v7 =	vperm.xlane v6, v0;
	_ =	sdelay $0x1  }
0x13c: {  	v7 =	vmax.f32 v6, v7  }
0x13d: {  	v8 =	vperm.xlane v7, v1;
	_ =	sdelay $0x1  }
0x13e: {  	v7 =	vmax.f32 v7, v8  }
0x13f: {  	v8 =	vperm.xlane v7, v2;
	_ =	sdelay $0x1  }
0x140: {  	v7 =	vmax.f32 v7, v8  }
0x141: {  	v8 =	vperm.xlane v7, v3;
	_ =	sdelay $0x1  }
0x142: {  	v7 =	vmax.f32 v7, v8  }
0x143: {  	vm3 =	veq.f32 v6, v7  }
0x144: {  	v7 =	vnsel vm3, $0x10, v4  }
0x145: {  	v8 =	vperm.xlane v7, v0;
	_ =	sdelay $0x1  }
0x146: {  	vm3 =	vlt.s32 v7, v8  }
0x147: {  	v7 =	vsel vm3, v7, v8  }
0x148: {  	v8 =	vperm.xlane v7, v1;
	_ =	sdelay $0x1  }
0x149: {  	vm3 =	vlt.s32 v7, v8  }
0x14a: {  	v7 =	vsel vm3, v7, v8  }
0x14b: {  	v8 =	vperm.xlane v7, v2;
	_ =	sdelay $0x1  }
0x14c: {  	vm3 =	vlt.s32 v7, v8  }
0x14d: {  	v7 =	vsel vm3, v7, v8  }
0x14e: {  	v8 =	vperm.xlane v7, v3;
	_ =	sdelay $0x1  }
0x14f: {  	vm3 =	vlt.s32 v7, v8  }
0x150: {  	v7 =	vsel vm3, v7, v8  }
0x151: {  	vm3 =	veq.s32 v7, v4  }
0x152: {  	v6 =	vsel vm3, $0xFF800000, v6  }
0x153: {  	v7 =	vperm.xlane v6, v0;
	_ =	sdelay $0x1  }
0x154: {  	v7 =	vmax.f32 v6, v7  }
0x155: {  	v8 =	vperm.xlane v7, v1;
	_ =	sdelay $0x1  }
0x156: {  	v7 =	vmax.f32 v7, v8  }
0x157: {  	v8 =	vperm.xlane v7, v2;
	_ =	sdelay $0x1  }
0x158: {  	v7 =	vmax.f32 v7, v8  }
0x159: {  	v8 =	vperm.xlane v7, v3;
	_ =	sdelay $0x1  }
0x15a: {  	v7 =	vmax.f32 v7, v8  }
0x15b: {  	vm4 =	veq.f32 v6, v7  }
0x15c: {  	v7 =	vnsel vm4, $0x10, v4  }
0x15d: {  	v8 =	vperm.xlane v7, v0;
	_ =	sdelay $0x1  }
0x15e: {  	vm4 =	vlt.s32 v7, v8  }
0x15f: {  	v7 =	vsel vm4, v7, v8  }
0x160: {  	v8 =	vperm.xlane v7, v1;
	_ =	sdelay $0x1  }
0x161: {  	vm4 =	vlt.s32 v7, v8  }
0x162: {  	v7 =	vsel vm4, v7, v8  }
0x163: {  	v8 =	vperm.xlane v7, v2;
	_ =	sdelay $0x1  }
0x164: {  	vm4 =	vlt.s32 v7, v8  }
0x165: {  	v7 =	vsel vm4, v7, v8  }
0x166: {  	v8 =	vperm.xlane v7, v3;
	_ =	sdelay $0x1  }
0x167: {  	vm4 =	vlt.s32 v7, v8  }
0x168: {  	v7 =	vsel vm4, v7, v8  }
0x169: {  	vm4 =	veq.s32 v7, v4  }
0x16a: {  	v6 =	vsel vm4, $0xFF800000, v6  }
0x16b: {  	v7 =	vperm.xlane v6, v0;
	_ =	sdelay $0x1  }
0x16c: {  	v7 =	vmax.f32 v6, v7  }
0x16d: {  	v8 =	vperm.xlane v7, v1;
	_ =	sdelay $0x1  }
0x16e: {  	v7 =	vmax.f32 v7, v8  }
0x16f: {  	v8 =	vperm.xlane v7, v2;
	_ =	sdelay $0x1  }
0x170: {  	v7 =	vmax.f32 v7, v8  }
0x171: {  	v8 =	vperm.xlane v7, v3;
	_ =	sdelay $0x1  }
0x172: {  	v7 =	vmax.f32 v7, v8  }
0x173: {  	vm5 =	veq.f32 v6, v7  }
0x174: {  	v7 =	vnsel vm5, $0x10, v4  }
0x175: {  	v8 =	vperm.xlane v7, v0;
	_ =	sdelay $0x1  }
0x176: {  	vm5 =	vlt.s32 v7, v8  }
0x177: {  	v7 =	vsel vm5, v7, v8  }
0x178: {  	v8 =	vperm.xlane v7, v1;
	_ =	sdelay $0x1  }
0x179: {  	vm5 =	vlt.s32 v7, v8  }
0x17a: {  	v7 =	vsel vm5, v7, v8  }
0x17b: {  	v8 =	vperm.xlane v7, v2;
	_ =	sdelay $0x1  }
0x17c: {  	vm5 =	vlt.s32 v7, v8  }
0x17d: {  	v7 =	vsel vm5, v7, v8  }
0x17e: {  	v8 =	vperm.xlane v7, v3;
	_ =	sdelay $0x1  }
0x17f: {  	vm5 =	vlt.s32 v7, v8  }
0x180: {  	v7 =	vsel vm5, v7, v8  }
0x181: {  	vm5 =	veq.s32 v7, v4  }
0x182: {  	v6 =	vsel vm5, $0xFF800000, v6  }
0x183: {  	v7 =	vperm.xlane v6, v0;
	_ =	sdelay $0x1  }
0x184: {  	v7 =	vmax.f32 v6, v7  }
0x185: {  	v8 =	vperm.xlane v7, v1;
	_ =	sdelay $0x1  }
0x186: {  	v7 =	vmax.f32 v7, v8  }
0x187: {  	v8 =	vperm.xlane v7, v2;
	_ =	sdelay $0x1  }
0x188: {  	v7 =	vmax.f32 v7, v8  }
0x189: {  	v8 =	vperm.xlane v7, v3;
	_ =	sdelay $0x1  }
0x18a: {  	v7 =	vmax.f32 v7, v8  }
0x18b: {  	vm6 =	veq.f32 v6, v7  }
0x18c: {  	v7 =	vnsel vm6, $0x10, v4  }
0x18d: {  	v8 =	vperm.xlane v7, v0;
	_ =	sdelay $0x1  }
0x18e: {  	vm6 =	vlt.s32 v7, v8  }
0x18f: {  	v7 =	vsel vm6, v7, v8  }
0x190: {  	v8 =	vperm.xlane v7, v1;
	_ =	sdelay $0x1  }
0x191: {  	vm6 =	vlt.s32 v7, v8  }
0x192: {  	v7 =	vsel vm6, v7, v8  }
0x193: {  	v8 =	vperm.xlane v7, v2;
	_ =	sdelay $0x1  }
0x194: {  	vm6 =	vlt.s32 v7, v8  }
0x195: {  	v7 =	vsel vm6, v7, v8  }
0x196: {  	v8 =	vperm.xlane v7, v3;
	_ =	sdelay $0x1  }
0x197: {  	vm6 =	vlt.s32 v7, v8  }
0x198: {  	v7 =	vsel vm6, v7, v8  }
0x199: {  	vm6 =	veq.s32 v7, v4  }
0x19a: {  	v6 =	vsel vm6, $0xFF800000, v6  }
0x19b: {  	v7 =	vperm.xlane v6, v0;
	_ =	sdelay $0x1  }
0x19c: {  	v7 =	vmax.f32 v6, v7  }
0x19d: {  	v8 =	vperm.xlane v7, v1;
	_ =	sdelay $0x1  }
0x19e: {  	v7 =	vmax.f32 v7, v8  }
0x19f: {  	v8 =	vperm.xlane v7, v2;
	_ =	sdelay $0x1  }
0x1a0: {  	v7 =	vmax.f32 v7, v8  }
0x1a1: {  	v8 =	vperm.xlane v7, v3;
	_ =	sdelay $0x1  }
0x1a2: {  	v7 =	vmax.f32 v7, v8  }
0x1a3: {  	vm7 =	veq.f32 v6, v7  }
0x1a4: {  	v6 =	vnsel vm7, $0x10, v4  }
0x1a5: {  	v7 =	vperm.xlane v6, v0;
	_ =	sdelay $0x1  }
0x1a6: {  	vm7 =	vlt.s32 v6, v7  }
0x1a7: {  	v6 =	vsel vm7, v6, v7  }
0x1a8: {  	v7 =	vperm.xlane v6, v1;
	_ =	sdelay $0x1  }
0x1a9: {  	vm7 =	vlt.s32 v6, v7  }
0x1aa: {  	v6 =	vsel vm7, v6, v7  }
0x1ab: {  	v7 =	vperm.xlane v6, v2;
	_ =	sdelay $0x1  }
0x1ac: {  	vm7 =	vlt.s32 v6, v7  }
0x1ad: {  	v6 =	vsel vm7, v6, v7  }
0x1ae: {  	v7 =	vperm.xlane v6, v3;
	_ =	sdelay $0x1  }
0x1af: {  	vm7 =	vlt.s32 v6, v7;
	(erf) = vpow2.f32 v5  }
0x1b0: {  	v5 =	vsel vm7, v6, v7  }
0x1b1: {  	vm7 =	veq.s32 v5, v4  }
0x1b2: {  	vm1 =	vmor vm1, vm7  }
0x1b3: {  	vm0 =	vmor vm0, vm1  }
0x1b4: {  	vm0 =	vmor vm2, vm0  }
0x1b5: {  	vm0 =	vmor vm3, vm0  }
0x1b6: {  	vm0 =	vmor vm4, vm0  }
0x1b7: {  	vm0 =	vmor vm5, vm0  }
0x1b8: {  	vm0 =	vmor vm6, vm0;
	v5 =	vpop (erf)  }
0x1b9: {  	v5 =	vnsel vm0, $0x0, v5  }
0x1ba: {  	v6 =	vperm.xlane v5, v0;
	_ =	sdelay $0x1  }
0x1bb: {  	v6 =	vadd.f32 v5, v6;
	_ =	sdelay $0x1  }
0x1bc: {  	v7 =	vperm.xlane v6, v1;
	_ =	sdelay $0x1  }
0x1bd: {  	v6 =	vadd.f32 v6, v7;
	_ =	sdelay $0x1  }
0x1be: {  	v7 =	vperm.xlane v6, v2;
	_ =	sdelay $0x1  }
0x1bf: {  	v6 =	vadd.f32 v6, v7;
	_ =	sdelay $0x1  }
0x1c0: {  	v7 =	vperm.xlane v6, v3;
	_ =	sdelay $0x1  }
0x1c1: {  	v6 =	vadd.f32 v6, v7;
	_ =	sdelay $0x1  }
0x1c2: {  	(erf) = vrcp.f32 v6;
	_ =	sdelay $0x8  }
0x1c3: {  	v6 =	vpop (erf)  }
0x1c4: {  	v5 =	vmul.f32 v6, v5  }
.Ltmp1:
0x1c5: {  	(pc) =	sbr.rel @p0 .LBB2_1-.Ltmp1, $4  }
0x1c6: {  	[tilespmem:$0x80] =	vst v5  }
0x1c7: {  	[hbm4b:s5+s2] =	stream.linear.scatter [tilespmem:s6], [sflag:$0x1], $0x80, $0x38;
	[tilespmem:$0x100] =	vst v63  }
0x1c8: {  	_ =	swait.ge [sflag:s3], $0x80  }
0x1c9: {  	[sflag:s3] =	ssyncset.done $0x0  }
.LBB2_2:
0x1ca: {  	[sflag:s3] =	ssyncadd.s32 $0xFFFFFF80  }
0x1cb: {  	_ =	sfence.sel $0x180000  }
0x1cc: {  	[bflag:$0x0] =	sbarrier.arrive $0xFFFF  }
0x1cd: {  	p0 =	sne.s32 s0, $0x0;
	_ =	strace $0x90000047  }
0x1ce: {  	s0 =	sadd.s32 @!p0 $0x100000, s1;
	[bflag:$0x2] =	sbarrier.arrive $0xFFFF  }
0x1cf: {  	[sflag:s0] =	ssyncadd.tile.s32 @!p0 $0x1;
	_ =	shalt  }
.Lfunc_end2:
_tile_overlayer_lowered:
.L_overlay_start_2:
0x1d0: {  	(tag) =	ssettag $0x2  }
0x1d1: {  	s0 =	rddreg [dreg:$0x0];
	s2 =	stileid.u32  }
0x1d2: {  	s1 =	rddreg [dreg:$0x1];
	p0 =	sne.s32 s2, $0x0  }
0x1d3: {  	s3 =	rddreg [dreg:$0x2];
	[bflag:$0x3] =	sbarrier.arrive $0xFFFF;
	s2 =	simm.s32 @!p0 $0x1C01  }
0x1d4: {  	[timem:s3], [sflag:s2] =	dma.local @!p0 [hbm:s0], s1  }
0x1d5: {  	s0 =	simm.s32 @!p0 $0x1  }
0x1d6: {  	_ =	swait.ge @!p0 [sflag:s0], s1  }
0x1d7: {  	s1 =	ssub.s32 @!p0 $0x0, s1;
	[sflag:s0] =	ssyncset.done @!p0 $0x0  }
0x1d8: {  	[sflag:s0] =	ssyncadd.s32 @!p0 s1  }
0x1d9: {  	[bflag:$0x3] =	sbarrier.arrive $0xFFFF  }
0x1da: {  	_ =	shalt  }

</sc_bundles>
